<compile_context>
chip_gen: v7x
topology: tpu7x:2x2x1
jax: 0.10.2.dev20260603
libtpu: 0.0.44.dev20260713+nightly
codegen_flags: <defaults>
</compile_context>

<pallas_src>
import functools

import jax
import jax.numpy as jnp
from jax import lax
from jax.experimental import pallas as pl
from jax.experimental.pallas import tpu as pltpu
from jax.experimental.pallas import tpu_sc as plsc

N = 10000
NP = 10240
D = 256
DH = 128
DA = 144
E = 160000
CHUNK = 128
CPT = 80
EPT = CHUNK * CPT
EP = EPT * 16
EPA = EP + 2 * CHUNK
NR = NP // 16
DUMMY = N



def _mm_aug_body(l_ref, r_ref, w_ref, b_ref, ol_ref, or_ref, *, relu):
    h = jnp.concatenate([l_ref[...], r_ref[...]], axis=1)
    h = jnp.dot(h, w_ref[...], preferred_element_type=jnp.float32) + b_ref[...]
    if relu:
        h = jnp.maximum(h, 0.0)
    br = h.shape[0]
    ones = jnp.ones((br, DA - DH), jnp.float32)
    ol_ref[...] = jnp.concatenate([h[:, :DH], ones], axis=1)
    or_ref[...] = jnp.concatenate([h[:, DH:], ones], axis=1)


def _mm_aug(hl, hr, W, b, relu):
    BR = 640
    grid = NP // BR
    return pl.pallas_call(
        functools.partial(_mm_aug_body, relu=relu),
        grid=(grid,),
        in_specs=[
            pl.BlockSpec((BR, DH), lambda i: (i, 0)),
            pl.BlockSpec((BR, DH), lambda i: (i, 0)),
            pl.BlockSpec((D, D), lambda i: (0, 0)),
            pl.BlockSpec((1, D), lambda i: (0, 0)),
        ],
        out_specs=[
            pl.BlockSpec((BR, DA), lambda i: (i, 0)),
            pl.BlockSpec((BR, DA), lambda i: (i, 0)),
        ],
        out_shape=[
            jax.ShapeDtypeStruct((NP, DA), jnp.float32),
            jax.ShapeDtypeStruct((NP, DA), jnp.float32),
        ],
    )(hl, hr, W, b.reshape(1, D))


def _rst(l_ref, r_ref, al_ref, ar_ref):
    recip = 1.0 / jnp.maximum(al_ref[:, DH:DH + 1], 1.0)
    rst_l = l_ref[:, :DH] + al_ref[:, :DH] * recip
    rst_r = r_ref[:, :DH] + ar_ref[:, :DH] * recip
    return jnp.concatenate([rst_l, rst_r], axis=1)


def _mm_layer_body(l_ref, r_ref, al_ref, ar_ref, w_ref, b_ref, ol_ref, or_ref):
    h = jnp.dot(_rst(l_ref, r_ref, al_ref, ar_ref), w_ref[...],
                preferred_element_type=jnp.float32) + b_ref[...]
    h = jnp.maximum(h, 0.0)
    ones = jnp.ones((h.shape[0], DA - DH), jnp.float32)
    ol_ref[...] = jnp.concatenate([h[:, :DH], ones], axis=1)
    or_ref[...] = jnp.concatenate([h[:, DH:], ones], axis=1)


def _mm_layer(hl, hr, al, ar, W, b):
    BR = 640
    grid = NP // BR
    spec_a = pl.BlockSpec((BR, DA), lambda i: (i, 0))
    return pl.pallas_call(
        _mm_layer_body,
        grid=(grid,),
        in_specs=[
            spec_a, spec_a, spec_a, spec_a,
            pl.BlockSpec((D, D), lambda i: (0, 0)),
            pl.BlockSpec((1, D), lambda i: (0, 0)),
        ],
        out_specs=[spec_a, spec_a],
        out_shape=[
            jax.ShapeDtypeStruct((NP, DA), jnp.float32),
            jax.ShapeDtypeStruct((NP, DA), jnp.float32),
        ],
    )(hl, hr, al, ar, W, b.reshape(1, D))


def _mm_final_body(l_ref, r_ref, al_ref, ar_ref, w_ref, b_ref, o_ref):
    h = jnp.dot(_rst(l_ref, r_ref, al_ref, ar_ref), w_ref[...],
                preferred_element_type=jnp.float32) + b_ref[...]
    o_ref[...] = jnp.maximum(h, 0.0)


def _mm_final(hl, hr, al, ar, W, b):
    BR = 640
    grid = NP // BR
    spec_a = pl.BlockSpec((BR, DA), lambda i: (i, 0))
    return pl.pallas_call(
        _mm_final_body,
        grid=(grid,),
        in_specs=[
            spec_a, spec_a, spec_a, spec_a,
            pl.BlockSpec((D, D), lambda i: (0, 0)),
            pl.BlockSpec((1, D), lambda i: (0, 0)),
        ],
        out_specs=pl.BlockSpec((BR, D), lambda i: (i, 0)),
        out_shape=jax.ShapeDtypeStruct((NP, D), jnp.float32),
    )(hl, hr, al, ar, W, b.reshape(1, D))



def _sc_agg_body(hl_hbm, hr_hbm, src_hbm, dst_hbm, z_hbm, ol_hbm, or_hbm,
                 acc, src_a, dst_a, rows_a, src_b, dst_b, rows_b,
                 sem_a, sem_b, sem_ia, sem_ib):
    c = lax.axis_index("c")
    s = lax.axis_index("s")

    pltpu.sync_copy(z_hbm, acc.at[pl.ds(s * NR, NR)])
    plsc.subcore_barrier()

    base = s * EPT

    def start_gather(src_v, rows_v, sem):
        @pl.when(c == 0)
        def _():
            pltpu.async_copy(hl_hbm.at[src_v], rows_v, sem)

        @pl.when(c == 1)
        def _():
            pltpu.async_copy(hr_hbm.at[src_v], rows_v, sem)

    def start_idx(off, src_v, dst_v, sem):
        pltpu.async_copy(src_hbm.at[pl.ds(off, CHUNK)], src_v, sem)
        pltpu.async_copy(dst_hbm.at[pl.ds(off, CHUNK)], dst_v, sem)

    def wait_idx(off, src_v, dst_v, sem):
        pltpu.make_async_copy(src_hbm.at[pl.ds(off, CHUNK)], src_v, sem).wait()
        pltpu.make_async_copy(dst_hbm.at[pl.ds(off, CHUNK)], dst_v, sem).wait()

    pltpu.sync_copy(src_hbm.at[pl.ds(base, CHUNK)], src_a)
    pltpu.sync_copy(dst_hbm.at[pl.ds(base, CHUNK)], dst_a)
    start_gather(src_a, rows_a, sem_a)
    start_idx(base + CHUNK, src_b, dst_b, sem_ib)

    def edge_step(j, carry):
        off_b = base + (2 * j + 1) * CHUNK
        off_a2 = base + (2 * j + 2) * CHUNK
        off_b2 = base + (2 * j + 3) * CHUNK
        wait_idx(off_b, src_b, dst_b, sem_ib)
        start_gather(src_b, rows_b, sem_b)
        pltpu.make_async_copy(hl_hbm.at[src_a], rows_a, sem_a).wait()
        pltpu.sync_copy(rows_a, acc.at[dst_a], add=True)
        start_idx(off_a2, src_a, dst_a, sem_ia)
        pltpu.make_async_copy(hl_hbm.at[src_b], rows_b, sem_b).wait()
        wait_idx(off_a2, src_a, dst_a, sem_ia)
        start_gather(src_a, rows_a, sem_a)
        pltpu.sync_copy(rows_b, acc.at[dst_b], add=True)
        start_idx(off_b2, src_b, dst_b, sem_ib)
        return carry

    lax.fori_loop(0, CPT // 2, edge_step, 0)
    pltpu.make_async_copy(hl_hbm.at[src_a], rows_a, sem_a).wait()
    wait_idx(base, src_b, dst_b, sem_ib)
    plsc.subcore_barrier()

    sl = pl.ds(s * NR, NR)

    @pl.when(c == 0)
    def _():
        pltpu.sync_copy(acc.at[sl], ol_hbm.at[sl])

    @pl.when(c == 1)
    def _():
        pltpu.sync_copy(acc.at[sl], or_hbm.at[sl])


def _sc_agg(hl_aug, hr_aug, src, dst, zeros_h):
    mesh = plsc.VectorSubcoreMesh(
        core_axis_name="c", subcore_axis_name="s", num_cores=2, num_subcores=16
    )
    k = pl.kernel(
        _sc_agg_body,
        out_type=[
            jax.ShapeDtypeStruct((NP, DA), jnp.float32),
            jax.ShapeDtypeStruct((NP, DA), jnp.float32),
        ],
        mesh=mesh,
        scratch_types=[
            pltpu.VMEM_SHARED((NP, DA), jnp.float32),
            pltpu.VMEM((CHUNK,), jnp.int32),
            pltpu.VMEM((CHUNK,), jnp.int32),
            pltpu.VMEM((CHUNK, DA), jnp.float32),
            pltpu.VMEM((CHUNK,), jnp.int32),
            pltpu.VMEM((CHUNK,), jnp.int32),
            pltpu.VMEM((CHUNK, DA), jnp.float32),
            pltpu.SemaphoreType.DMA,
            pltpu.SemaphoreType.DMA,
            pltpu.SemaphoreType.DMA,
            pltpu.SemaphoreType.DMA,
        ],
        compiler_params=pltpu.CompilerParams(use_tc_tiling_on_sc=False),
    )
    return k(hl_aug, hr_aug, src, dst, zeros_h)



def _pad_edges(ei):
    pad = jnp.full((EPA - E,), DUMMY, jnp.int32)
    return (jnp.concatenate([ei[0], pad]), jnp.concatenate([ei[1], pad]))


def kernel(x, edge_index1, edge_index2, W_embed, b_embed, W1, b1, W2, b2):
    xp = jnp.zeros((NP, D), jnp.float32).at[:N].set(x)
    xl, xr = xp[:, :DH], xp[:, DH:]
    src1, dst1 = _pad_edges(edge_index1)
    src2, dst2 = _pad_edges(edge_index2)
    zeros_h = jnp.zeros((NR, DA), jnp.float32)

    hl0, hr0 = _mm_aug(xl, xr, W_embed, b_embed, relu=False)
    al1, ar1 = _sc_agg(hl0, hr0, src1, dst1, zeros_h)
    hl1, hr1 = _mm_layer(hl0, hr0, al1, ar1, W1, b1)
    al2, ar2 = _sc_agg(hl1, hr1, src2, dst2, zeros_h)
    out = _mm_final(hl1, hr1, al2, ar2, W2, b2)
    return out[:N]

# --- scband reference (transcript-rebuilt; emitter-appended) ---
"""Pipeline reference for scband-gin-36429912605261 (READ-ONLY COPY).

The authoritative reference and input builder live on the scoring server;
editing this copy changes nothing except your own understanding.
"""

import jax, jax.numpy as jnp
import numpy as np

N = 10000
E = 160000
D_IN = 256
D_H = 256


def setup_inputs(seed: int = 0) -> dict:
    key = jax.random.key(seed)
    ks = jax.random.split(key, 10)
    x = jax.random.normal(ks[0], (N, D_IN), dtype=jnp.float32)
    edge_index1 = jax.random.randint(ks[1], (2, E), 0, N, dtype=jnp.int32)
    edge_index2 = jax.random.randint(ks[2], (2, E), 0, N, dtype=jnp.int32)
    s_in = 1.0 / np.sqrt(D_IN)
    s_h = 1.0 / np.sqrt(D_H)
    W_embed = jax.random.normal(ks[3], (D_IN, D_H), dtype=jnp.float32) * s_in
    b_embed = jnp.zeros((D_H,), dtype=jnp.float32)
    W1 = jax.random.normal(ks[4], (D_H, D_H), dtype=jnp.float32) * s_h
    b1 = jnp.zeros((D_H,), dtype=jnp.float32)
    W2 = jax.random.normal(ks[5], (D_H, D_H), dtype=jnp.float32) * s_h
    b2 = jnp.zeros((D_H,), dtype=jnp.float32)
    return {
        'x': x,
        'edge_index1': edge_index1,
        'edge_index2': edge_index2,
        'W_embed': W_embed,
        'b_embed': b_embed,
        'W1': W1,
        'b1': b1,
        'W2': W2,
        'b2': b2,
    }


def _gin_conv_mean(h, src, dst, W, b):
    # DGL GINConv with aggregator_type='mean', eps=0 (default, not learned):
    # rst = apply_func((1 + eps) * h_dst + mean_{u in N(v)} h_src[u])
    msg = jnp.take(h, src, axis=0)
    agg_sum = jax.ops.segment_sum(msg, dst, num_segments=N)
    deg = jax.ops.segment_sum(jnp.ones((src.shape[0],), dtype=h.dtype), dst, num_segments=N)
    agg_mean = agg_sum / jnp.maximum(deg, 1.0)[:, None]
    rst = h + agg_mean  # (1 + eps) * h_dst with eps = 0
    return rst @ W + b


def reference(x, edge_index1, edge_index2, W_embed, b_embed, W1, b1, W2, b2):
    h = x @ W_embed + b_embed  # self.embed
    h = jax.nn.relu(_gin_conv_mean(h, edge_index1[0], edge_index1[1], W1, b1))
    h = jax.nn.relu(_gin_conv_mean(h, edge_index2[0], edge_index2[1], W2, b2))
    return h

if __name__ == "__main__":
    import jax
    _d = setup_inputs()
    print(jax.jit(kernel)(*tuple(_d.values())))

</pallas_src>

<mosaic_0001>
#map = affine_map<(d0, d1) -> (0, 0)>
#map1 = affine_map<(d0, d1) -> (0)>
module attributes {stable_mosaic.version = 14 : i64} {
  func.func @_sc_agg_body(%arg0: i32, %arg1: i32, %arg2: memref<10240x144xf32, #tpu.memory_space<hbm>>, %arg3: memref<10240x144xf32, #tpu.memory_space<hbm>>, %arg4: memref<164096xi32, #tpu.memory_space<hbm>>, %arg5: memref<164096xi32, #tpu.memory_space<hbm>>, %arg6: memref<640x144xf32, #tpu.memory_space<hbm>>, %arg7: memref<10240x144xf32, #tpu.memory_space<hbm>>, %arg8: memref<10240x144xf32, #tpu.memory_space<hbm>>, %arg9: memref<10240x144xf32, #tpu.memory_space<vmem_shared>>, %arg10: memref<128xi32, #tpu.memory_space<vmem>>, %arg11: memref<128xi32, #tpu.memory_space<vmem>>, %arg12: memref<128x144xf32, #tpu.memory_space<vmem>>, %arg13: memref<128xi32, #tpu.memory_space<vmem>>, %arg14: memref<128xi32, #tpu.memory_space<vmem>>, %arg15: memref<128x144xf32, #tpu.memory_space<vmem>>, %arg16: memref<!tpu.dma_semaphore, #tpu.memory_space<semaphore_mem>>, %arg17: memref<!tpu.dma_semaphore, #tpu.memory_space<semaphore_mem>>, %arg18: memref<!tpu.dma_semaphore, #tpu.memory_space<semaphore_mem>>, %arg19: memref<!tpu.dma_semaphore, #tpu.memory_space<semaphore_mem>>) attributes {dimension_semantics = [#tpu.dimension_semantics<core_parallel>, #tpu.dimension_semantics<subcore_parallel>], iteration_bounds = array<i64: 2, 16>, scalar_prefetch = 0 : i64, scratch_operands = 11 : i64, tpu.core_type = #tpu.core_type<sc_vector_subcore>, window_params = [{transform_indices = #map}, {transform_indices = #map}, {transform_indices = #map1}, {transform_indices = #map1}, {transform_indices = #map}, {transform_indices = #map}, {transform_indices = #map}]} {
    %mul3A = arith.constant 640 : i32
    %mul3A_0 = arith.muli %arg1, %mul3A : i32
    "tpu.region"() ({
      %run_scoped3A = tpu.sem_alloc : memref<!tpu.dma_semaphore, #tpu.memory_space<semaphore_mem>>
      %dma_start3A_38 = arith.constant 0 : i32
      %dma_start3A_39 = tpu.memref_slice %arg9[%mul3A_0, %dma_start3A_38] : memref<10240x144xf32, #tpu.memory_space<vmem_shared>> -> memref<640x144xf32, #tpu.memory_space<vmem_shared>>
      tpu.enqueue_dma source(%arg6 : memref<640x144xf32, #tpu.memory_space<hbm>>) target(%dma_start3A_39 : memref<640x144xf32, #tpu.memory_space<vmem_shared>>) target_semaphore(%run_scoped3A : memref<!tpu.dma_semaphore, #tpu.memory_space<semaphore_mem>>)
      %dma_wait3A_40 = arith.constant 0 : i32
      %dma_wait3A_41 = tpu.memref_slice %arg9[%mul3A_0, %dma_wait3A_40] : memref<10240x144xf32, #tpu.memory_space<vmem_shared>> -> memref<640x144xf32, #tpu.memory_space<vmem_shared>>
      tpu.wait_dma2 semaphore(%run_scoped3A : memref<!tpu.dma_semaphore, #tpu.memory_space<semaphore_mem>>) src(%arg6 : memref<640x144xf32, #tpu.memory_space<hbm>>) dst(%dma_wait3A_41 : memref<640x144xf32, #tpu.memory_space<vmem_shared>>)
      tpu.yield
    }) : () -> ()
    %barrier3A = arith.constant 0 : index
    tpu.barrier barrier_id(%barrier3A)
    %mul3A_1 = arith.constant 10240 : i32
    %mul3A_2 = arith.muli %arg1, %mul3A_1 : i32
    "tpu.region"() ({
      %run_scoped3A = tpu.sem_alloc : memref<!tpu.dma_semaphore, #tpu.memory_space<semaphore_mem>>
      %dma_start3A_38 = tpu.memref_slice %arg4[%mul3A_2] : memref<164096xi32, #tpu.memory_space<hbm>> -> memref<128xi32, #tpu.memory_space<hbm>>
      %dma_start3A_39 = tpu.memref_slice %arg4[%mul3A_2] : memref<164096xi32, #tpu.memory_space<hbm>> -> memref<128xi32, #tpu.memory_space<hbm>>
      tpu.enqueue_dma source(%dma_start3A_39 : memref<128xi32, #tpu.memory_space<hbm>>) target(%arg10 : memref<128xi32, #tpu.memory_space<vmem>>) target_semaphore(%run_scoped3A : memref<!tpu.dma_semaphore, #tpu.memory_space<semaphore_mem>>)
      %dma_wait3A_40 = tpu.memref_slice %arg4[%mul3A_2] : memref<164096xi32, #tpu.memory_space<hbm>> -> memref<128xi32, #tpu.memory_space<hbm>>
      %dma_wait3A_41 = tpu.memref_slice %arg4[%mul3A_2] : memref<164096xi32, #tpu.memory_space<hbm>> -> memref<128xi32, #tpu.memory_space<hbm>>
      tpu.wait_dma2 semaphore(%run_scoped3A : memref<!tpu.dma_semaphore, #tpu.memory_space<semaphore_mem>>) src(%dma_wait3A_41 : memref<128xi32, #tpu.memory_space<hbm>>) dst(%arg10 : memref<128xi32, #tpu.memory_space<vmem>>)
      tpu.yield
    }) : () -> ()
    "tpu.region"() ({
      %run_scoped3A = tpu.sem_alloc : memref<!tpu.dma_semaphore, #tpu.memory_space<semaphore_mem>>
      %dma_start3A_38 = tpu.memref_slice %arg5[%mul3A_2] : memref<164096xi32, #tpu.memory_space<hbm>> -> memref<128xi32, #tpu.memory_space<hbm>>
      %dma_start3A_39 = tpu.memref_slice %arg5[%mul3A_2] : memref<164096xi32, #tpu.memory_space<hbm>> -> memref<128xi32, #tpu.memory_space<hbm>>
      tpu.enqueue_dma source(%dma_start3A_39 : memref<128xi32, #tpu.memory_space<hbm>>) target(%arg11 : memref<128xi32, #tpu.memory_space<vmem>>) target_semaphore(%run_scoped3A : memref<!tpu.dma_semaphore, #tpu.memory_space<semaphore_mem>>)
      %dma_wait3A_40 = tpu.memref_slice %arg5[%mul3A_2] : memref<164096xi32, #tpu.memory_space<hbm>> -> memref<128xi32, #tpu.memory_space<hbm>>
      %dma_wait3A_41 = tpu.memref_slice %arg5[%mul3A_2] : memref<164096xi32, #tpu.memory_space<hbm>> -> memref<128xi32, #tpu.memory_space<hbm>>
      tpu.wait_dma2 semaphore(%run_scoped3A : memref<!tpu.dma_semaphore, #tpu.memory_space<semaphore_mem>>) src(%dma_wait3A_41 : memref<128xi32, #tpu.memory_space<hbm>>) dst(%arg11 : memref<128xi32, #tpu.memory_space<vmem>>)
      tpu.yield
    }) : () -> ()
    %eq3A = arith.constant 0 : i32
    %eq3A_3 = arith.cmpi eq, %arg0, %eq3A : i32
    %convert_element_type3A = arith.extui %eq3A_3 : i1 to i32
    %cond3A = arith.constant 0 : i32
    %cond3A_4 = arith.cmpi ne, %convert_element_type3A, %cond3A : i32
    scf.if %cond3A_4 {
      %dma_start3A_38 = arith.constant 0 : i32
      %dma_start3A_39 = arith.constant 0 : i32
      %dma_start3A_40 = tpu.memref_slice %arg2[%dma_start3A_38, %dma_start3A_39] : memref<10240x144xf32, #tpu.memory_space<hbm>> -> memref<10240x144xf32, #tpu.memory_space<hbm>>
      tpu.enqueue_indirect_dma source(%dma_start3A_40 : memref<10240x144xf32, #tpu.memory_space<hbm>>) target(%arg12 : memref<128x144xf32, #tpu.memory_space<vmem>>) offsets(%arg10 : memref<128xi32, #tpu.memory_space<vmem>>) semaphore(%arg16 : memref<!tpu.dma_semaphore, #tpu.memory_space<semaphore_mem>>)
    } else {
    }
    %eq3A_5 = arith.constant 1 : i32
    %eq3A_6 = arith.cmpi eq, %arg0, %eq3A_5 : i32
    %convert_element_type3A_7 = arith.extui %eq3A_6 : i1 to i32
    %cond3A_8 = arith.constant 0 : i32
    %cond3A_9 = arith.cmpi ne, %convert_element_type3A_7, %cond3A_8 : i32
    scf.if %cond3A_9 {
      %dma_start3A_38 = arith.constant 0 : i32
      %dma_start3A_39 = arith.constant 0 : i32
      %dma_start3A_40 = tpu.memref_slice %arg3[%dma_start3A_38, %dma_start3A_39] : memref<10240x144xf32, #tpu.memory_space<hbm>> -> memref<10240x144xf32, #tpu.memory_space<hbm>>
      tpu.enqueue_indirect_dma source(%dma_start3A_40 : memref<10240x144xf32, #tpu.memory_space<hbm>>) target(%arg12 : memref<128x144xf32, #tpu.memory_space<vmem>>) offsets(%arg10 : memref<128xi32, #tpu.memory_space<vmem>>) semaphore(%arg16 : memref<!tpu.dma_semaphore, #tpu.memory_space<semaphore_mem>>)
    } else {
    }
    %add3A = arith.constant 128 : i32
    %add3A_10 = arith.addi %mul3A_2, %add3A : i32
    %dma_start3A = tpu.memref_slice %arg4[%add3A_10] : memref<164096xi32, #tpu.memory_space<hbm>> -> memref<128xi32, #tpu.memory_space<hbm>>
    %dma_start3A_11 = tpu.memref_slice %arg4[%add3A_10] : memref<164096xi32, #tpu.memory_space<hbm>> -> memref<128xi32, #tpu.memory_space<hbm>>
    tpu.enqueue_dma source(%dma_start3A_11 : memref<128xi32, #tpu.memory_space<hbm>>) target(%arg13 : memref<128xi32, #tpu.memory_space<vmem>>) target_semaphore(%arg19 : memref<!tpu.dma_semaphore, #tpu.memory_space<semaphore_mem>>)
    %dma_start3A_12 = tpu.memref_slice %arg5[%add3A_10] : memref<164096xi32, #tpu.memory_space<hbm>> -> memref<128xi32, #tpu.memory_space<hbm>>
    %dma_start3A_13 = tpu.memref_slice %arg5[%add3A_10] : memref<164096xi32, #tpu.memory_space<hbm>> -> memref<128xi32, #tpu.memory_space<hbm>>
    tpu.enqueue_dma source(%dma_start3A_13 : memref<128xi32, #tpu.memory_space<hbm>>) target(%arg14 : memref<128xi32, #tpu.memory_space<vmem>>) target_semaphore(%arg19 : memref<!tpu.dma_semaphore, #tpu.memory_space<semaphore_mem>>)
    %scan3A = arith.constant 0 : i32
    %scan3A_14 = arith.constant 0 : i32
    %scan3A_15 = arith.constant 40 : i32
    %scan3A_16 = arith.addi %scan3A_14, %scan3A_15 : i32
    %scan3A_17 = arith.constant 1 : i32
    scf.for %scan3A_38 = %scan3A_14 to %scan3A_16 step %scan3A_17  : i32 {
      %mul3A_39 = arith.constant 2 : i32
      %mul3A_40 = arith.muli %mul3A_39, %scan3A_38 : i32
      %add3A_41 = arith.constant 1 : i32
      %add3A_42 = arith.addi %mul3A_40, %add3A_41 : i32
      %mul3A_43 = arith.constant 128 : i32
      %mul3A_44 = arith.muli %add3A_42, %mul3A_43 : i32
      %add3A_45 = arith.addi %mul3A_2, %mul3A_44 : i32
      %mul3A_46 = arith.constant 2 : i32
      %mul3A_47 = arith.muli %mul3A_46, %scan3A_38 : i32
      %add3A_48 = arith.constant 2 : i32
      %add3A_49 = arith.addi %mul3A_47, %add3A_48 : i32
      %mul3A_50 = arith.constant 128 : i32
      %mul3A_51 = arith.muli %add3A_49, %mul3A_50 : i32
      %add3A_52 = arith.addi %mul3A_2, %mul3A_51 : i32
      %mul3A_53 = arith.constant 2 : i32
      %mul3A_54 = arith.muli %mul3A_53, %scan3A_38 : i32
      %add3A_55 = arith.constant 3 : i32
      %add3A_56 = arith.addi %mul3A_54, %add3A_55 : i32
      %mul3A_57 = arith.constant 128 : i32
      %mul3A_58 = arith.muli %add3A_56, %mul3A_57 : i32
      %add3A_59 = arith.addi %mul3A_2, %mul3A_58 : i32
      %dma_wait3A_60 = tpu.memref_slice %arg4[%add3A_45] : memref<164096xi32, #tpu.memory_space<hbm>> -> memref<128xi32, #tpu.memory_space<hbm>>
      %dma_wait3A_61 = tpu.memref_slice %arg4[%add3A_45] : memref<164096xi32, #tpu.memory_space<hbm>> -> memref<128xi32, #tpu.memory_space<hbm>>
      tpu.wait_dma2 semaphore(%arg19 : memref<!tpu.dma_semaphore, #tpu.memory_space<semaphore_mem>>) src(%dma_wait3A_61 : memref<128xi32, #tpu.memory_space<hbm>>) dst(%arg13 : memref<128xi32, #tpu.memory_space<vmem>>)
      %dma_wait3A_62 = tpu.memref_slice %arg5[%add3A_45] : memref<164096xi32, #tpu.memory_space<hbm>> -> memref<128xi32, #tpu.memory_space<hbm>>
      %dma_wait3A_63 = tpu.memref_slice %arg5[%add3A_45] : memref<164096xi32, #tpu.memory_space<hbm>> -> memref<128xi32, #tpu.memory_space<hbm>>
      tpu.wait_dma2 semaphore(%arg19 : memref<!tpu.dma_semaphore, #tpu.memory_space<semaphore_mem>>) src(%dma_wait3A_63 : memref<128xi32, #tpu.memory_space<hbm>>) dst(%arg14 : memref<128xi32, #tpu.memory_space<vmem>>)
      %eq3A_64 = arith.constant 0 : i32
      %eq3A_65 = arith.cmpi eq, %arg0, %eq3A_64 : i32
      %convert_element_type3A_66 = arith.extui %eq3A_65 : i1 to i32
      %cond3A_67 = arith.constant 0 : i32
      %cond3A_68 = arith.cmpi ne, %convert_element_type3A_66, %cond3A_67 : i32
      scf.if %cond3A_68 {
        %dma_start3A_102 = arith.constant 0 : i32
        %dma_start3A_103 = arith.constant 0 : i32
        %dma_start3A_104 = tpu.memref_slice %arg2[%dma_start3A_102, %dma_start3A_103] : memref<10240x144xf32, #tpu.memory_space<hbm>> -> memref<10240x144xf32, #tpu.memory_space<hbm>>
        tpu.enqueue_indirect_dma source(%dma_start3A_104 : memref<10240x144xf32, #tpu.memory_space<hbm>>) target(%arg15 : memref<128x144xf32, #tpu.memory_space<vmem>>) offsets(%arg13 : memref<128xi32, #tpu.memory_space<vmem>>) semaphore(%arg17 : memref<!tpu.dma_semaphore, #tpu.memory_space<semaphore_mem>>)
      } else {
      }
      %eq3A_69 = arith.constant 1 : i32
      %eq3A_70 = arith.cmpi eq, %arg0, %eq3A_69 : i32
      %convert_element_type3A_71 = arith.extui %eq3A_70 : i1 to i32
      %cond3A_72 = arith.constant 0 : i32
      %cond3A_73 = arith.cmpi ne, %convert_element_type3A_71, %cond3A_72 : i32
      scf.if %cond3A_73 {
        %dma_start3A_102 = arith.constant 0 : i32
        %dma_start3A_103 = arith.constant 0 : i32
        %dma_start3A_104 = tpu.memref_slice %arg3[%dma_start3A_102, %dma_start3A_103] : memref<10240x144xf32, #tpu.memory_space<hbm>> -> memref<10240x144xf32, #tpu.memory_space<hbm>>
        tpu.enqueue_indirect_dma source(%dma_start3A_104 : memref<10240x144xf32, #tpu.memory_space<hbm>>) target(%arg15 : memref<128x144xf32, #tpu.memory_space<vmem>>) offsets(%arg13 : memref<128xi32, #tpu.memory_space<vmem>>) semaphore(%arg17 : memref<!tpu.dma_semaphore, #tpu.memory_space<semaphore_mem>>)
      } else {
      }
      %dma_wait3A_74 = arith.constant 0 : i32
      %dma_wait3A_75 = arith.constant 0 : i32
      %dma_wait3A_76 = tpu.memref_slice %arg2[%dma_wait3A_74, %dma_wait3A_75] : memref<10240x144xf32, #tpu.memory_space<hbm>> -> memref<10240x144xf32, #tpu.memory_space<hbm>>
      tpu.wait_indirect_dma semaphore(%arg16 : memref<!tpu.dma_semaphore, #tpu.memory_space<semaphore_mem>>) src(%dma_wait3A_76 : memref<10240x144xf32, #tpu.memory_space<hbm>>) dst(%arg12 : memref<128x144xf32, #tpu.memory_space<vmem>>)
      "tpu.region"() ({
        %run_scoped3A = tpu.sem_alloc : memref<!tpu.dma_semaphore, #tpu.memory_space<semaphore_mem>>
        %dma_start3A_102 = arith.constant 0 : i32
        %dma_start3A_103 = arith.constant 0 : i32
        %dma_start3A_104 = tpu.memref_slice %arg9[%dma_start3A_102, %dma_start3A_103] : memref<10240x144xf32, #tpu.memory_space<vmem_shared>> -> memref<10240x144xf32, #tpu.memory_space<vmem_shared>>
        tpu.enqueue_indirect_dma source(%arg12 : memref<128x144xf32, #tpu.memory_space<vmem>>) target(%dma_start3A_104 : memref<10240x144xf32, #tpu.memory_space<vmem_shared>>) offsets(%arg11 : memref<128xi32, #tpu.memory_space<vmem>>) semaphore(%run_scoped3A : memref<!tpu.dma_semaphore, #tpu.memory_space<semaphore_mem>>) {add = true}
        %dma_wait3A_105 = arith.constant 0 : i32
        %dma_wait3A_106 = arith.constant 0 : i32
        %dma_wait3A_107 = tpu.memref_slice %arg9[%dma_wait3A_105, %dma_wait3A_106] : memref<10240x144xf32, #tpu.memory_space<vmem_shared>> -> memref<10240x144xf32, #tpu.memory_space<vmem_shared>>
        tpu.wait_indirect_dma semaphore(%run_scoped3A : memref<!tpu.dma_semaphore, #tpu.memory_space<semaphore_mem>>) src(%arg12 : memref<128x144xf32, #tpu.memory_space<vmem>>) dst(%dma_wait3A_107 : memref<10240x144xf32, #tpu.memory_space<vmem_shared>>)
        tpu.yield
      }) : () -> ()
      %dma_start3A_77 = tpu.memref_slice %arg4[%add3A_52] : memref<164096xi32, #tpu.memory_space<hbm>> -> memref<128xi32, #tpu.memory_space<hbm>>
      %dma_start3A_78 = tpu.memref_slice %arg4[%add3A_52] : memref<164096xi32, #tpu.memory_space<hbm>> -> memref<128xi32, #tpu.memory_space<hbm>>
      tpu.enqueue_dma source(%dma_start3A_78 : memref<128xi32, #tpu.memory_space<hbm>>) target(%arg10 : memref<128xi32, #tpu.memory_space<vmem>>) target_semaphore(%arg18 : memref<!tpu.dma_semaphore, #tpu.memory_space<semaphore_mem>>)
      %dma_start3A_79 = tpu.memref_slice %arg5[%add3A_52] : memref<164096xi32, #tpu.memory_space<hbm>> -> memref<128xi32, #tpu.memory_space<hbm>>
      %dma_start3A_80 = tpu.memref_slice %arg5[%add3A_52] : memref<164096xi32, #tpu.memory_space<hbm>> -> memref<128xi32, #tpu.memory_space<hbm>>
      tpu.enqueue_dma source(%dma_start3A_80 : memref<128xi32, #tpu.memory_space<hbm>>) target(%arg11 : memref<128xi32, #tpu.memory_space<vmem>>) target_semaphore(%arg18 : memref<!tpu.dma_semaphore, #tpu.memory_space<semaphore_mem>>)
      %dma_wait3A_81 = arith.constant 0 : i32
      %dma_wait3A_82 = arith.constant 0 : i32
      %dma_wait3A_83 = tpu.memref_slice %arg2[%dma_wait3A_81, %dma_wait3A_82] : memref<10240x144xf32, #tpu.memory_space<hbm>> -> memref<10240x144xf32, #tpu.memory_space<hbm>>
      tpu.wait_indirect_dma semaphore(%arg17 : memref<!tpu.dma_semaphore, #tpu.memory_space<semaphore_mem>>) src(%dma_wait3A_83 : memref<10240x144xf32, #tpu.memory_space<hbm>>) dst(%arg15 : memref<128x144xf32, #tpu.memory_space<vmem>>)
      %dma_wait3A_84 = tpu.memref_slice %arg4[%add3A_52] : memref<164096xi32, #tpu.memory_space<hbm>> -> memref<128xi32, #tpu.memory_space<hbm>>
      %dma_wait3A_85 = tpu.memref_slice %arg4[%add3A_52] : memref<164096xi32, #tpu.memory_space<hbm>> -> memref<128xi32, #tpu.memory_space<hbm>>
      tpu.wait_dma2 semaphore(%arg18 : memref<!tpu.dma_semaphore, #tpu.memory_space<semaphore_mem>>) src(%dma_wait3A_85 : memref<128xi32, #tpu.memory_space<hbm>>) dst(%arg10 : memref<128xi32, #tpu.memory_space<vmem>>)
      %dma_wait3A_86 = tpu.memref_slice %arg5[%add3A_52] : memref<164096xi32, #tpu.memory_space<hbm>> -> memref<128xi32, #tpu.memory_space<hbm>>
      %dma_wait3A_87 = tpu.memref_slice %arg5[%add3A_52] : memref<164096xi32, #tpu.memory_space<hbm>> -> memref<128xi32, #tpu.memory_space<hbm>>
      tpu.wait_dma2 semaphore(%arg18 : memref<!tpu.dma_semaphore, #tpu.memory_space<semaphore_mem>>) src(%dma_wait3A_87 : memref<128xi32, #tpu.memory_space<hbm>>) dst(%arg11 : memref<128xi32, #tpu.memory_space<vmem>>)
      %eq3A_88 = arith.constant 0 : i32
      %eq3A_89 = arith.cmpi eq, %arg0, %eq3A_88 : i32
      %convert_element_type3A_90 = arith.extui %eq3A_89 : i1 to i32
      %cond3A_91 = arith.constant 0 : i32
      %cond3A_92 = arith.cmpi ne, %convert_element_type3A_90, %cond3A_91 : i32
      scf.if %cond3A_92 {
        %dma_start3A_102 = arith.constant 0 : i32
        %dma_start3A_103 = arith.constant 0 : i32
        %dma_start3A_104 = tpu.memref_slice %arg2[%dma_start3A_102, %dma_start3A_103] : memref<10240x144xf32, #tpu.memory_space<hbm>> -> memref<10240x144xf32, #tpu.memory_space<hbm>>
        tpu.enqueue_indirect_dma source(%dma_start3A_104 : memref<10240x144xf32, #tpu.memory_space<hbm>>) target(%arg12 : memref<128x144xf32, #tpu.memory_space<vmem>>) offsets(%arg10 : memref<128xi32, #tpu.memory_space<vmem>>) semaphore(%arg16 : memref<!tpu.dma_semaphore, #tpu.memory_space<semaphore_mem>>)
      } else {
      }
      %eq3A_93 = arith.constant 1 : i32
      %eq3A_94 = arith.cmpi eq, %arg0, %eq3A_93 : i32
      %convert_element_type3A_95 = arith.extui %eq3A_94 : i1 to i32
      %cond3A_96 = arith.constant 0 : i32
      %cond3A_97 = arith.cmpi ne, %convert_element_type3A_95, %cond3A_96 : i32
      scf.if %cond3A_97 {
        %dma_start3A_102 = arith.constant 0 : i32
        %dma_start3A_103 = arith.constant 0 : i32
        %dma_start3A_104 = tpu.memref_slice %arg3[%dma_start3A_102, %dma_start3A_103] : memref<10240x144xf32, #tpu.memory_space<hbm>> -> memref<10240x144xf32, #tpu.memory_space<hbm>>
        tpu.enqueue_indirect_dma source(%dma_start3A_104 : memref<10240x144xf32, #tpu.memory_space<hbm>>) target(%arg12 : memref<128x144xf32, #tpu.memory_space<vmem>>) offsets(%arg10 : memref<128xi32, #tpu.memory_space<vmem>>) semaphore(%arg16 : memref<!tpu.dma_semaphore, #tpu.memory_space<semaphore_mem>>)
      } else {
      }
      "tpu.region"() ({
        %run_scoped3A = tpu.sem_alloc : memref<!tpu.dma_semaphore, #tpu.memory_space<semaphore_mem>>
        %dma_start3A_102 = arith.constant 0 : i32
        %dma_start3A_103 = arith.constant 0 : i32
        %dma_start3A_104 = tpu.memref_slice %arg9[%dma_start3A_102, %dma_start3A_103] : memref<10240x144xf32, #tpu.memory_space<vmem_shared>> -> memref<10240x144xf32, #tpu.memory_space<vmem_shared>>
        tpu.enqueue_indirect_dma source(%arg15 : memref<128x144xf32, #tpu.memory_space<vmem>>) target(%dma_start3A_104 : memref<10240x144xf32, #tpu.memory_space<vmem_shared>>) offsets(%arg14 : memref<128xi32, #tpu.memory_space<vmem>>) semaphore(%run_scoped3A : memref<!tpu.dma_semaphore, #tpu.memory_space<semaphore_mem>>) {add = true}
        %dma_wait3A_105 = arith.constant 0 : i32
        %dma_wait3A_106 = arith.constant 0 : i32
        %dma_wait3A_107 = tpu.memref_slice %arg9[%dma_wait3A_105, %dma_wait3A_106] : memref<10240x144xf32, #tpu.memory_space<vmem_shared>> -> memref<10240x144xf32, #tpu.memory_space<vmem_shared>>
        tpu.wait_indirect_dma semaphore(%run_scoped3A : memref<!tpu.dma_semaphore, #tpu.memory_space<semaphore_mem>>) src(%arg15 : memref<128x144xf32, #tpu.memory_space<vmem>>) dst(%dma_wait3A_107 : memref<10240x144xf32, #tpu.memory_space<vmem_shared>>)
        tpu.yield
      }) : () -> ()
      %dma_start3A_98 = tpu.memref_slice %arg4[%add3A_59] : memref<164096xi32, #tpu.memory_space<hbm>> -> memref<128xi32, #tpu.memory_space<hbm>>
      %dma_start3A_99 = tpu.memref_slice %arg4[%add3A_59] : memref<164096xi32, #tpu.memory_space<hbm>> -> memref<128xi32, #tpu.memory_space<hbm>>
      tpu.enqueue_dma source(%dma_start3A_99 : memref<128xi32, #tpu.memory_space<hbm>>) target(%arg13 : memref<128xi32, #tpu.memory_space<vmem>>) target_semaphore(%arg19 : memref<!tpu.dma_semaphore, #tpu.memory_space<semaphore_mem>>)
      %dma_start3A_100 = tpu.memref_slice %arg5[%add3A_59] : memref<164096xi32, #tpu.memory_space<hbm>> -> memref<128xi32, #tpu.memory_space<hbm>>
      %dma_start3A_101 = tpu.memref_slice %arg5[%add3A_59] : memref<164096xi32, #tpu.memory_space<hbm>> -> memref<128xi32, #tpu.memory_space<hbm>>
      tpu.enqueue_dma source(%dma_start3A_101 : memref<128xi32, #tpu.memory_space<hbm>>) target(%arg14 : memref<128xi32, #tpu.memory_space<vmem>>) target_semaphore(%arg19 : memref<!tpu.dma_semaphore, #tpu.memory_space<semaphore_mem>>)
    }
    %scan3A_18 = arith.constant 40 : i32
    %dma_wait3A = arith.constant 0 : i32
    %dma_wait3A_19 = arith.constant 0 : i32
    %dma_wait3A_20 = tpu.memref_slice %arg2[%dma_wait3A, %dma_wait3A_19] : memref<10240x144xf32, #tpu.memory_space<hbm>> -> memref<10240x144xf32, #tpu.memory_space<hbm>>
    tpu.wait_indirect_dma semaphore(%arg16 : memref<!tpu.dma_semaphore, #tpu.memory_space<semaphore_mem>>) src(%dma_wait3A_20 : memref<10240x144xf32, #tpu.memory_space<hbm>>) dst(%arg12 : memref<128x144xf32, #tpu.memory_space<vmem>>)
    %dma_wait3A_21 = tpu.memref_slice %arg4[%mul3A_2] : memref<164096xi32, #tpu.memory_space<hbm>> -> memref<128xi32, #tpu.memory_space<hbm>>
    %dma_wait3A_22 = tpu.memref_slice %arg4[%mul3A_2] : memref<164096xi32, #tpu.memory_space<hbm>> -> memref<128xi32, #tpu.memory_space<hbm>>
    tpu.wait_dma2 semaphore(%arg19 : memref<!tpu.dma_semaphore, #tpu.memory_space<semaphore_mem>>) src(%dma_wait3A_22 : memref<128xi32, #tpu.memory_space<hbm>>) dst(%arg13 : memref<128xi32, #tpu.memory_space<vmem>>)
    %dma_wait3A_23 = tpu.memref_slice %arg5[%mul3A_2] : memref<164096xi32, #tpu.memory_space<hbm>> -> memref<128xi32, #tpu.memory_space<hbm>>
    %dma_wait3A_24 = tpu.memref_slice %arg5[%mul3A_2] : memref<164096xi32, #tpu.memory_space<hbm>> -> memref<128xi32, #tpu.memory_space<hbm>>
    tpu.wait_dma2 semaphore(%arg19 : memref<!tpu.dma_semaphore, #tpu.memory_space<semaphore_mem>>) src(%dma_wait3A_24 : memref<128xi32, #tpu.memory_space<hbm>>) dst(%arg14 : memref<128xi32, #tpu.memory_space<vmem>>)
    %barrier3A_25 = arith.constant 0 : index
    tpu.barrier barrier_id(%barrier3A_25)
    %mul3A_26 = arith.constant 640 : i32
    %mul3A_27 = arith.muli %arg1, %mul3A_26 : i32
    %eq3A_28 = arith.constant 0 : i32
    %eq3A_29 = arith.cmpi eq, %arg0, %eq3A_28 : i32
    %convert_element_type3A_30 = arith.extui %eq3A_29 : i1 to i32
    %cond3A_31 = arith.constant 0 : i32
    %cond3A_32 = arith.cmpi ne, %convert_element_type3A_30, %cond3A_31 : i32
    scf.if %cond3A_32 {
      "tpu.region"() ({
        %run_scoped3A = tpu.sem_alloc : memref<!tpu.dma_semaphore, #tpu.memory_space<semaphore_mem>>
        %dma_start3A_38 = arith.constant 0 : i32
        %dma_start3A_39 = tpu.memref_slice %arg7[%mul3A_27, %dma_start3A_38] : memref<10240x144xf32, #tpu.memory_space<hbm>> -> memref<640x144xf32, #tpu.memory_space<hbm>>
        %dma_start3A_40 = arith.constant 0 : i32
        %dma_start3A_41 = tpu.memref_slice %arg9[%mul3A_27, %dma_start3A_40] : memref<10240x144xf32, #tpu.memory_space<vmem_shared>> -> memref<640x144xf32, #tpu.memory_space<vmem_shared>>
        tpu.enqueue_dma source(%dma_start3A_41 : memref<640x144xf32, #tpu.memory_space<vmem_shared>>) target(%dma_start3A_39 : memref<640x144xf32, #tpu.memory_space<hbm>>) target_semaphore(%run_scoped3A : memref<!tpu.dma_semaphore, #tpu.memory_space<semaphore_mem>>)
        %dma_wait3A_42 = arith.constant 0 : i32
        %dma_wait3A_43 = tpu.memref_slice %arg7[%mul3A_27, %dma_wait3A_42] : memref<10240x144xf32, #tpu.memory_space<hbm>> -> memref<640x144xf32, #tpu.memory_space<hbm>>
        %dma_wait3A_44 = arith.constant 0 : i32
        %dma_wait3A_45 = tpu.memref_slice %arg9[%mul3A_27, %dma_wait3A_44] : memref<10240x144xf32, #tpu.memory_space<vmem_shared>> -> memref<640x144xf32, #tpu.memory_space<vmem_shared>>
        tpu.wait_dma2 semaphore(%run_scoped3A : memref<!tpu.dma_semaphore, #tpu.memory_space<semaphore_mem>>) src(%dma_wait3A_45 : memref<640x144xf32, #tpu.memory_space<vmem_shared>>) dst(%dma_wait3A_43 : memref<640x144xf32, #tpu.memory_space<hbm>>)
        tpu.yield
      }) : () -> ()
    } else {
    }
    %eq3A_33 = arith.constant 1 : i32
    %eq3A_34 = arith.cmpi eq, %arg0, %eq3A_33 : i32
    %convert_element_type3A_35 = arith.extui %eq3A_34 : i1 to i32
    %cond3A_36 = arith.constant 0 : i32
    %cond3A_37 = arith.cmpi ne, %convert_element_type3A_35, %cond3A_36 : i32
    scf.if %cond3A_37 {
      "tpu.region"() ({
        %run_scoped3A = tpu.sem_alloc : memref<!tpu.dma_semaphore, #tpu.memory_space<semaphore_mem>>
        %dma_start3A_38 = arith.constant 0 : i32
        %dma_start3A_39 = tpu.memref_slice %arg8[%mul3A_27, %dma_start3A_38] : memref<10240x144xf32, #tpu.memory_space<hbm>> -> memref<640x144xf32, #tpu.memory_space<hbm>>
        %dma_start3A_40 = arith.constant 0 : i32
        %dma_start3A_41 = tpu.memref_slice %arg9[%mul3A_27, %dma_start3A_40] : memref<10240x144xf32, #tpu.memory_space<vmem_shared>> -> memref<640x144xf32, #tpu.memory_space<vmem_shared>>
        tpu.enqueue_dma source(%dma_start3A_41 : memref<640x144xf32, #tpu.memory_space<vmem_shared>>) target(%dma_start3A_39 : memref<640x144xf32, #tpu.memory_space<hbm>>) target_semaphore(%run_scoped3A : memref<!tpu.dma_semaphore, #tpu.memory_space<semaphore_mem>>)
        %dma_wait3A_42 = arith.constant 0 : i32
        %dma_wait3A_43 = tpu.memref_slice %arg8[%mul3A_27, %dma_wait3A_42] : memref<10240x144xf32, #tpu.memory_space<hbm>> -> memref<640x144xf32, #tpu.memory_space<hbm>>
        %dma_wait3A_44 = arith.constant 0 : i32
        %dma_wait3A_45 = tpu.memref_slice %arg9[%mul3A_27, %dma_wait3A_44] : memref<10240x144xf32, #tpu.memory_space<vmem_shared>> -> memref<640x144xf32, #tpu.memory_space<vmem_shared>>
        tpu.wait_dma2 semaphore(%run_scoped3A : memref<!tpu.dma_semaphore, #tpu.memory_space<semaphore_mem>>) src(%dma_wait3A_45 : memref<640x144xf32, #tpu.memory_space<vmem_shared>>) dst(%dma_wait3A_43 : memref<640x144xf32, #tpu.memory_space<hbm>>)
        tpu.yield
      }) : () -> ()
    } else {
    }
    return
  }
}

#map = affine_map<(d0, d1) -> (0, 0)>
#map1 = affine_map<(d0, d1) -> (0)>
module attributes {stable_mosaic.version = 14 : i64} {
  func.func @_sc_agg_body(%arg0: i32, %arg1: i32, %arg2: memref<10240x144xf32, #tpu.memory_space<hbm>>, %arg3: memref<10240x144xf32, #tpu.memory_space<hbm>>, %arg4: memref<164096xi32, #tpu.memory_space<hbm>>, %arg5: memref<164096xi32, #tpu.memory_space<hbm>>, %arg6: memref<640x144xf32, #tpu.memory_space<hbm>>, %arg7: memref<10240x144xf32, #tpu.memory_space<hbm>>, %arg8: memref<10240x144xf32, #tpu.memory_space<hbm>>, %arg9: memref<10240x144xf32, #tpu.memory_space<vmem_shared>>, %arg10: memref<128xi32, #tpu.memory_space<vmem>>, %arg11: memref<128xi32, #tpu.memory_space<vmem>>, %arg12: memref<128x144xf32, #tpu.memory_space<vmem>>, %arg13: memref<128xi32, #tpu.memory_space<vmem>>, %arg14: memref<128xi32, #tpu.memory_space<vmem>>, %arg15: memref<128x144xf32, #tpu.memory_space<vmem>>, %arg16: memref<!tpu.dma_semaphore, #tpu.memory_space<semaphore_mem>>, %arg17: memref<!tpu.dma_semaphore, #tpu.memory_space<semaphore_mem>>, %arg18: memref<!tpu.dma_semaphore, #tpu.memory_space<semaphore_mem>>, %arg19: memref<!tpu.dma_semaphore, #tpu.memory_space<semaphore_mem>>) attributes {dimension_semantics = [#tpu.dimension_semantics<core_parallel>, #tpu.dimension_semantics<subcore_parallel>], iteration_bounds = array<i64: 2, 16>, scalar_prefetch = 0 : i64, scratch_operands = 11 : i64, tpu.core_type = #tpu.core_type<sc_vector_subcore>, window_params = [{transform_indices = #map}, {transform_indices = #map}, {transform_indices = #map1}, {transform_indices = #map1}, {transform_indices = #map}, {transform_indices = #map}, {transform_indices = #map}]} {
    %mul3A = arith.constant 640 : i32
    %mul3A_0 = arith.muli %arg1, %mul3A : i32
    "tpu.region"() ({
      %run_scoped3A = tpu.sem_alloc : memref<!tpu.dma_semaphore, #tpu.memory_space<semaphore_mem>>
      %dma_start3A_38 = arith.constant 0 : i32
      %dma_start3A_39 = tpu.memref_slice %arg9[%mul3A_0, %dma_start3A_38] : memref<10240x144xf32, #tpu.memory_space<vmem_shared>> -> memref<640x144xf32, #tpu.memory_space<vmem_shared>>
      tpu.enqueue_dma source(%arg6 : memref<640x144xf32, #tpu.memory_space<hbm>>) target(%dma_start3A_39 : memref<640x144xf32, #tpu.memory_space<vmem_shared>>) target_semaphore(%run_scoped3A : memref<!tpu.dma_semaphore, #tpu.memory_space<semaphore_mem>>)
      %dma_wait3A_40 = arith.constant 0 : i32
      %dma_wait3A_41 = tpu.memref_slice %arg9[%mul3A_0, %dma_wait3A_40] : memref<10240x144xf32, #tpu.memory_space<vmem_shared>> -> memref<640x144xf32, #tpu.memory_space<vmem_shared>>
      tpu.wait_dma2 semaphore(%run_scoped3A : memref<!tpu.dma_semaphore, #tpu.memory_space<semaphore_mem>>) src(%arg6 : memref<640x144xf32, #tpu.memory_space<hbm>>) dst(%dma_wait3A_41 : memref<640x144xf32, #tpu.memory_space<vmem_shared>>)
      tpu.yield
    }) : () -> ()
    %barrier3A = arith.constant 0 : index
    tpu.barrier barrier_id(%barrier3A)
    %mul3A_1 = arith.constant 10240 : i32
    %mul3A_2 = arith.muli %arg1, %mul3A_1 : i32
    "tpu.region"() ({
      %run_scoped3A = tpu.sem_alloc : memref<!tpu.dma_semaphore, #tpu.memory_space<semaphore_mem>>
      %dma_start3A_38 = tpu.memref_slice %arg4[%mul3A_2] : memref<164096xi32, #tpu.memory_space<hbm>> -> memref<128xi32, #tpu.memory_space<hbm>>
      %dma_start3A_39 = tpu.memref_slice %arg4[%mul3A_2] : memref<164096xi32, #tpu.memory_space<hbm>> -> memref<128xi32, #tpu.memory_space<hbm>>
      tpu.enqueue_dma source(%dma_start3A_39 : memref<128xi32, #tpu.memory_space<hbm>>) target(%arg10 : memref<128xi32, #tpu.memory_space<vmem>>) target_semaphore(%run_scoped3A : memref<!tpu.dma_semaphore, #tpu.memory_space<semaphore_mem>>)
      %dma_wait3A_40 = tpu.memref_slice %arg4[%mul3A_2] : memref<164096xi32, #tpu.memory_space<hbm>> -> memref<128xi32, #tpu.memory_space<hbm>>
      %dma_wait3A_41 = tpu.memref_slice %arg4[%mul3A_2] : memref<164096xi32, #tpu.memory_space<hbm>> -> memref<128xi32, #tpu.memory_space<hbm>>
      tpu.wait_dma2 semaphore(%run_scoped3A : memref<!tpu.dma_semaphore, #tpu.memory_space<semaphore_mem>>) src(%dma_wait3A_41 : memref<128xi32, #tpu.memory_space<hbm>>) dst(%arg10 : memref<128xi32, #tpu.memory_space<vmem>>)
      tpu.yield
    }) : () -> ()
    "tpu.region"() ({
      %run_scoped3A = tpu.sem_alloc : memref<!tpu.dma_semaphore, #tpu.memory_space<semaphore_mem>>
      %dma_start3A_38 = tpu.memref_slice %arg5[%mul3A_2] : memref<164096xi32, #tpu.memory_space<hbm>> -> memref<128xi32, #tpu.memory_space<hbm>>
      %dma_start3A_39 = tpu.memref_slice %arg5[%mul3A_2] : memref<164096xi32, #tpu.memory_space<hbm>> -> memref<128xi32, #tpu.memory_space<hbm>>
      tpu.enqueue_dma source(%dma_start3A_39 : memref<128xi32, #tpu.memory_space<hbm>>) target(%arg11 : memref<128xi32, #tpu.memory_space<vmem>>) target_semaphore(%run_scoped3A : memref<!tpu.dma_semaphore, #tpu.memory_space<semaphore_mem>>)
      %dma_wait3A_40 = tpu.memref_slice %arg5[%mul3A_2] : memref<164096xi32, #tpu.memory_space<hbm>> -> memref<128xi32, #tpu.memory_space<hbm>>
      %dma_wait3A_41 = tpu.memref_slice %arg5[%mul3A_2] : memref<164096xi32, #tpu.memory_space<hbm>> -> memref<128xi32, #tpu.memory_space<hbm>>
      tpu.wait_dma2 semaphore(%run_scoped3A : memref<!tpu.dma_semaphore, #tpu.memory_space<semaphore_mem>>) src(%dma_wait3A_41 : memref<128xi32, #tpu.memory_space<hbm>>) dst(%arg11 : memref<128xi32, #tpu.memory_space<vmem>>)
      tpu.yield
    }) : () -> ()
    %eq3A = arith.constant 0 : i32
    %eq3A_3 = arith.cmpi eq, %arg0, %eq3A : i32
    %convert_element_type3A = arith.extui %eq3A_3 : i1 to i32
    %cond3A = arith.constant 0 : i32
    %cond3A_4 = arith.cmpi ne, %convert_element_type3A, %cond3A : i32
    scf.if %cond3A_4 {
      %dma_start3A_38 = arith.constant 0 : i32
      %dma_start3A_39 = arith.constant 0 : i32
      %dma_start3A_40 = tpu.memref_slice %arg2[%dma_start3A_38, %dma_start3A_39] : memref<10240x144xf32, #tpu.memory_space<hbm>> -> memref<10240x144xf32, #tpu.memory_space<hbm>>
      tpu.enqueue_indirect_dma source(%dma_start3A_40 : memref<10240x144xf32, #tpu.memory_space<hbm>>) target(%arg12 : memref<128x144xf32, #tpu.memory_space<vmem>>) offsets(%arg10 : memref<128xi32, #tpu.memory_space<vmem>>) semaphore(%arg16 : memref<!tpu.dma_semaphore, #tpu.memory_space<semaphore_mem>>)
    } else {
    }
    %eq3A_5 = arith.constant 1 : i32
    %eq3A_6 = arith.cmpi eq, %arg0, %eq3A_5 : i32
    %convert_element_type3A_7 = arith.extui %eq3A_6 : i1 to i32
    %cond3A_8 = arith.constant 0 : i32
    %cond3A_9 = arith.cmpi ne, %convert_element_type3A_7, %cond3A_8 : i32
    scf.if %cond3A_9 {
      %dma_start3A_38 = arith.constant 0 : i32
      %dma_start3A_39 = arith.constant 0 : i32
      %dma_start3A_40 = tpu.memref_slice %arg3[%dma_start3A_38, %dma_start3A_39] : memref<10240x144xf32, #tpu.memory_space<hbm>> -> memref<10240x144xf32, #tpu.memory_space<hbm>>
      tpu.enqueue_indirect_dma source(%dma_start3A_40 : memref<10240x144xf32, #tpu.memory_space<hbm>>) target(%arg12 : memref<128x144xf32, #tpu.memory_space<vmem>>) offsets(%arg10 : memref<128xi32, #tpu.memory_space<vmem>>) semaphore(%arg16 : memref<!tpu.dma_semaphore, #tpu.memory_space<semaphore_mem>>)
    } else {
    }
    %add3A = arith.constant 128 : i32
    %add3A_10 = arith.addi %mul3A_2, %add3A : i32
    %dma_start3A = tpu.memref_slice %arg4[%add3A_10] : memref<164096xi32, #tpu.memory_space<hbm>> -> memref<128xi32, #tpu.memory_space<hbm>>
    %dma_start3A_11 = tpu.memref_slice %arg4[%add3A_10] : memref<164096xi32, #tpu.memory_space<hbm>> -> memref<128xi32, #tpu.memory_space<hbm>>
    tpu.enqueue_dma source(%dma_start3A_11 : memref<128xi32, #tpu.memory_space<hbm>>) target(%arg13 : memref<128xi32, #tpu.memory_space<vmem>>) target_semaphore(%arg19 : memref<!tpu.dma_semaphore, #tpu.memory_space<semaphore_mem>>)
    %dma_start3A_12 = tpu.memref_slice %arg5[%add3A_10] : memref<164096xi32, #tpu.memory_space<hbm>> -> memref<128xi32, #tpu.memory_space<hbm>>
    %dma_start3A_13 = tpu.memref_slice %arg5[%add3A_10] : memref<164096xi32, #tpu.memory_space<hbm>> -> memref<128xi32, #tpu.memory_space<hbm>>
    tpu.enqueue_dma source(%dma_start3A_13 : memref<128xi32, #tpu.memory_space<hbm>>) target(%arg14 : memref<128xi32, #tpu.memory_space<vmem>>) target_semaphore(%arg19 : memref<!tpu.dma_semaphore, #tpu.memory_space<semaphore_mem>>)
    %scan3A = arith.constant 0 : i32
    %scan3A_14 = arith.constant 0 : i32
    %scan3A_15 = arith.constant 40 : i32
    %scan3A_16 = arith.addi %scan3A_14, %scan3A_15 : i32
    %scan3A_17 = arith.constant 1 : i32
    scf.for %scan3A_38 = %scan3A_14 to %scan3A_16 step %scan3A_17  : i32 {
      %mul3A_39 = arith.constant 2 : i32
      %mul3A_40 = arith.muli %mul3A_39, %scan3A_38 : i32
      %add3A_41 = arith.constant 1 : i32
      %add3A_42 = arith.addi %mul3A_40, %add3A_41 : i32
      %mul3A_43 = arith.constant 128 : i32
      %mul3A_44 = arith.muli %add3A_42, %mul3A_43 : i32
      %add3A_45 = arith.addi %mul3A_2, %mul3A_44 : i32
      %mul3A_46 = arith.constant 2 : i32
      %mul3A_47 = arith.muli %mul3A_46, %scan3A_38 : i32
      %add3A_48 = arith.constant 2 : i32
      %add3A_49 = arith.addi %mul3A_47, %add3A_48 : i32
      %mul3A_50 = arith.constant 128 : i32
      %mul3A_51 = arith.muli %add3A_49, %mul3A_50 : i32
      %add3A_52 = arith.addi %mul3A_2, %mul3A_51 : i32
      %mul3A_53 = arith.constant 2 : i32
      %mul3A_54 = arith.muli %mul3A_53, %scan3A_38 : i32
      %add3A_55 = arith.constant 3 : i32
      %add3A_56 = arith.addi %mul3A_54, %add3A_55 : i32
      %mul3A_57 = arith.constant 128 : i32
      %mul3A_58 = arith.muli %add3A_56, %mul3A_57 : i32
      %add3A_59 = arith.addi %mul3A_2, %mul3A_58 : i32
      %dma_wait3A_60 = tpu.memref_slice %arg4[%add3A_45] : memref<164096xi32, #tpu.memory_space<hbm>> -> memref<128xi32, #tpu.memory_space<hbm>>
      %dma_wait3A_61 = tpu.memref_slice %arg4[%add3A_45] : memref<164096xi32, #tpu.memory_space<hbm>> -> memref<128xi32, #tpu.memory_space<hbm>>
      tpu.wait_dma2 semaphore(%arg19 : memref<!tpu.dma_semaphore, #tpu.memory_space<semaphore_mem>>) src(%dma_wait3A_61 : memref<128xi32, #tpu.memory_space<hbm>>) dst(%arg13 : memref<128xi32, #tpu.memory_space<vmem>>)
      %dma_wait3A_62 = tpu.memref_slice %arg5[%add3A_45] : memref<164096xi32, #tpu.memory_space<hbm>> -> memref<128xi32, #tpu.memory_space<hbm>>
      %dma_wait3A_63 = tpu.memref_slice %arg5[%add3A_45] : memref<164096xi32, #tpu.memory_space<hbm>> -> memref<128xi32, #tpu.memory_space<hbm>>
      tpu.wait_dma2 semaphore(%arg19 : memref<!tpu.dma_semaphore, #tpu.memory_space<semaphore_mem>>) src(%dma_wait3A_63 : memref<128xi32, #tpu.memory_space<hbm>>) dst(%arg14 : memref<128xi32, #tpu.memory_space<vmem>>)
      %eq3A_64 = arith.constant 0 : i32
      %eq3A_65 = arith.cmpi eq, %arg0, %eq3A_64 : i32
      %convert_element_type3A_66 = arith.extui %eq3A_65 : i1 to i32
      %cond3A_67 = arith.constant 0 : i32
      %cond3A_68 = arith.cmpi ne, %convert_element_type3A_66, %cond3A_67 : i32
      scf.if %cond3A_68 {
        %dma_start3A_102 = arith.constant 0 : i32
        %dma_start3A_103 = arith.constant 0 : i32
        %dma_start3A_104 = tpu.memref_slice %arg2[%dma_start3A_102, %dma_start3A_103] : memref<10240x144xf32, #tpu.memory_space<hbm>> -> memref<10240x144xf32, #tpu.memory_space<hbm>>
        tpu.enqueue_indirect_dma source(%dma_start3A_104 : memref<10240x144xf32, #tpu.memory_space<hbm>>) target(%arg15 : memref<128x144xf32, #tpu.memory_space<vmem>>) offsets(%arg13 : memref<128xi32, #tpu.memory_space<vmem>>) semaphore(%arg17 : memref<!tpu.dma_semaphore, #tpu.memory_space<semaphore_mem>>)
      } else {
      }
      %eq3A_69 = arith.constant 1 : i32
      %eq3A_70 = arith.cmpi eq, %arg0, %eq3A_69 : i32
      %convert_element_type3A_71 = arith.extui %eq3A_70 : i1 to i32
      %cond3A_72 = arith.constant 0 : i32
      %cond3A_73 = arith.cmpi ne, %convert_element_type3A_71, %cond3A_72 : i32
      scf.if %cond3A_73 {
        %dma_start3A_102 = arith.constant 0 : i32
        %dma_start3A_103 = arith.constant 0 : i32
        %dma_start3A_104 = tpu.memref_slice %arg3[%dma_start3A_102, %dma_start3A_103] : memref<10240x144xf32, #tpu.memory_space<hbm>> -> memref<10240x144xf32, #tpu.memory_space<hbm>>
        tpu.enqueue_indirect_dma source(%dma_start3A_104 : memref<10240x144xf32, #tpu.memory_space<hbm>>) target(%arg15 : memref<128x144xf32, #tpu.memory_space<vmem>>) offsets(%arg13 : memref<128xi32, #tpu.memory_space<vmem>>) semaphore(%arg17 : memref<!tpu.dma_semaphore, #tpu.memory_space<semaphore_mem>>)
      } else {
      }
      %dma_wait3A_74 = arith.constant 0 : i32
      %dma_wait3A_75 = arith.constant 0 : i32
      %dma_wait3A_76 = tpu.memref_slice %arg2[%dma_wait3A_74, %dma_wait3A_75] : memref<10240x144xf32, #tpu.memory_space<hbm>> -> memref<10240x144xf32, #tpu.memory_space<hbm>>
      tpu.wait_indirect_dma semaphore(%arg16 : memref<!tpu.dma_semaphore, #tpu.memory_space<semaphore_mem>>) src(%dma_wait3A_76 : memref<10240x144xf32, #tpu.memory_space<hbm>>) dst(%arg12 : memref<128x144xf32, #tpu.memory_space<vmem>>)
      "tpu.region"() ({
        %run_scoped3A = tpu.sem_alloc : memref<!tpu.dma_semaphore, #tpu.memory_space<semaphore_mem>>
        %dma_start3A_102 = arith.constant 0 : i32
        %dma_start3A_103 = arith.constant 0 : i32
        %dma_start3A_104 = tpu.memref_slice %arg9[%dma_start3A_102, %dma_start3A_103] : memref<10240x144xf32, #tpu.memory_space<vmem_shared>> -> memref<10240x144xf32, #tpu.memory_space<vmem_shared>>
        tpu.enqueue_indirect_dma source(%arg12 : memref<128x144xf32, #tpu.memory_space<vmem>>) target(%dma_start3A_104 : memref<10240x144xf32, #tpu.memory_space<vmem_shared>>) offsets(%arg11 : memref<128xi32, #tpu.memory_space<vmem>>) semaphore(%run_scoped3A : memref<!tpu.dma_semaphore, #tpu.memory_space<semaphore_mem>>) {add = true}
        %dma_wait3A_105 = arith.constant 0 : i32
        %dma_wait3A_106 = arith.constant 0 : i32
        %dma_wait3A_107 = tpu.memref_slice %arg9[%dma_wait3A_105, %dma_wait3A_106] : memref<10240x144xf32, #tpu.memory_space<vmem_shared>> -> memref<10240x144xf32, #tpu.memory_space<vmem_shared>>
        tpu.wait_indirect_dma semaphore(%run_scoped3A : memref<!tpu.dma_semaphore, #tpu.memory_space<semaphore_mem>>) src(%arg12 : memref<128x144xf32, #tpu.memory_space<vmem>>) dst(%dma_wait3A_107 : memref<10240x144xf32, #tpu.memory_space<vmem_shared>>)
        tpu.yield
      }) : () -> ()
      %dma_start3A_77 = tpu.memref_slice %arg4[%add3A_52] : memref<164096xi32, #tpu.memory_space<hbm>> -> memref<128xi32, #tpu.memory_space<hbm>>
      %dma_start3A_78 = tpu.memref_slice %arg4[%add3A_52] : memref<164096xi32, #tpu.memory_space<hbm>> -> memref<128xi32, #tpu.memory_space<hbm>>
      tpu.enqueue_dma source(%dma_start3A_78 : memref<128xi32, #tpu.memory_space<hbm>>) target(%arg10 : memref<128xi32, #tpu.memory_space<vmem>>) target_semaphore(%arg18 : memref<!tpu.dma_semaphore, #tpu.memory_space<semaphore_mem>>)
      %dma_start3A_79 = tpu.memref_slice %arg5[%add3A_52] : memref<164096xi32, #tpu.memory_space<hbm>> -> memref<128xi32, #tpu.memory_space<hbm>>
      %dma_start3A_80 = tpu.memref_slice %arg5[%add3A_52] : memref<164096xi32, #tpu.memory_space<hbm>> -> memref<128xi32, #tpu.memory_space<hbm>>
      tpu.enqueue_dma source(%dma_start3A_80 : memref<128xi32, #tpu.memory_space<hbm>>) target(%arg11 : memref<128xi32, #tpu.memory_space<vmem>>) target_semaphore(%arg18 : memref<!tpu.dma_semaphore, #tpu.memory_space<semaphore_mem>>)
      %dma_wait3A_81 = arith.constant 0 : i32
      %dma_wait3A_82 = arith.constant 0 : i32
      %dma_wait3A_83 = tpu.memref_slice %arg2[%dma_wait3A_81, %dma_wait3A_82] : memref<10240x144xf32, #tpu.memory_space<hbm>> -> memref<10240x144xf32, #tpu.memory_space<hbm>>
      tpu.wait_indirect_dma semaphore(%arg17 : memref<!tpu.dma_semaphore, #tpu.memory_space<semaphore_mem>>) src(%dma_wait3A_83 : memref<10240x144xf32, #tpu.memory_space<hbm>>) dst(%arg15 : memref<128x144xf32, #tpu.memory_space<vmem>>)
      %dma_wait3A_84 = tpu.memref_slice %arg4[%add3A_52] : memref<164096xi32, #tpu.memory_space<hbm>> -> memref<128xi32, #tpu.memory_space<hbm>>
      %dma_wait3A_85 = tpu.memref_slice %arg4[%add3A_52] : memref<164096xi32, #tpu.memory_space<hbm>> -> memref<128xi32, #tpu.memory_space<hbm>>
      tpu.wait_dma2 semaphore(%arg18 : memref<!tpu.dma_semaphore, #tpu.memory_space<semaphore_mem>>) src(%dma_wait3A_85 : memref<128xi32, #tpu.memory_space<hbm>>) dst(%arg10 : memref<128xi32, #tpu.memory_space<vmem>>)
      %dma_wait3A_86 = tpu.memref_slice %arg5[%add3A_52] : memref<164096xi32, #tpu.memory_space<hbm>> -> memref<128xi32, #tpu.memory_space<hbm>>
      %dma_wait3A_87 = tpu.memref_slice %arg5[%add3A_52] : memref<164096xi32, #tpu.memory_space<hbm>> -> memref<128xi32, #tpu.memory_space<hbm>>
      tpu.wait_dma2 semaphore(%arg18 : memref<!tpu.dma_semaphore, #tpu.memory_space<semaphore_mem>>) src(%dma_wait3A_87 : memref<128xi32, #tpu.memory_space<hbm>>) dst(%arg11 : memref<128xi32, #tpu.memory_space<vmem>>)
      %eq3A_88 = arith.constant 0 : i32
      %eq3A_89 = arith.cmpi eq, %arg0, %eq3A_88 : i32
      %convert_element_type3A_90 = arith.extui %eq3A_89 : i1 to i32
      %cond3A_91 = arith.constant 0 : i32
      %cond3A_92 = arith.cmpi ne, %convert_element_type3A_90, %cond3A_91 : i32
      scf.if %cond3A_92 {
        %dma_start3A_102 = arith.constant 0 : i32
        %dma_start3A_103 = arith.constant 0 : i32
        %dma_start3A_104 = tpu.memref_slice %arg2[%dma_start3A_102, %dma_start3A_103] : memref<10240x144xf32, #tpu.memory_space<hbm>> -> memref<10240x144xf32, #tpu.memory_space<hbm>>
        tpu.enqueue_indirect_dma source(%dma_start3A_104 : memref<10240x144xf32, #tpu.memory_space<hbm>>) target(%arg12 : memref<128x144xf32, #tpu.memory_space<vmem>>) offsets(%arg10 : memref<128xi32, #tpu.memory_space<vmem>>) semaphore(%arg16 : memref<!tpu.dma_semaphore, #tpu.memory_space<semaphore_mem>>)
      } else {
      }
      %eq3A_93 = arith.constant 1 : i32
      %eq3A_94 = arith.cmpi eq, %arg0, %eq3A_93 : i32
      %convert_element_type3A_95 = arith.extui %eq3A_94 : i1 to i32
      %cond3A_96 = arith.constant 0 : i32
      %cond3A_97 = arith.cmpi ne, %convert_element_type3A_95, %cond3A_96 : i32
      scf.if %cond3A_97 {
        %dma_start3A_102 = arith.constant 0 : i32
        %dma_start3A_103 = arith.constant 0 : i32
        %dma_start3A_104 = tpu.memref_slice %arg3[%dma_start3A_102, %dma_start3A_103] : memref<10240x144xf32, #tpu.memory_space<hbm>> -> memref<10240x144xf32, #tpu.memory_space<hbm>>
        tpu.enqueue_indirect_dma source(%dma_start3A_104 : memref<10240x144xf32, #tpu.memory_space<hbm>>) target(%arg12 : memref<128x144xf32, #tpu.memory_space<vmem>>) offsets(%arg10 : memref<128xi32, #tpu.memory_space<vmem>>) semaphore(%arg16 : memref<!tpu.dma_semaphore, #tpu.memory_space<semaphore_mem>>)
      } else {
      }
      "tpu.region"() ({
        %run_scoped3A = tpu.sem_alloc : memref<!tpu.dma_semaphore, #tpu.memory_space<semaphore_mem>>
        %dma_start3A_102 = arith.constant 0 : i32
        %dma_start3A_103 = arith.constant 0 : i32
        %dma_start3A_104 = tpu.memref_slice %arg9[%dma_start3A_102, %dma_start3A_103] : memref<10240x144xf32, #tpu.memory_space<vmem_shared>> -> memref<10240x144xf32, #tpu.memory_space<vmem_shared>>
        tpu.enqueue_indirect_dma source(%arg15 : memref<128x144xf32, #tpu.memory_space<vmem>>) target(%dma_start3A_104 : memref<10240x144xf32, #tpu.memory_space<vmem_shared>>) offsets(%arg14 : memref<128xi32, #tpu.memory_space<vmem>>) semaphore(%run_scoped3A : memref<!tpu.dma_semaphore, #tpu.memory_space<semaphore_mem>>) {add = true}
        %dma_wait3A_105 = arith.constant 0 : i32
        %dma_wait3A_106 = arith.constant 0 : i32
        %dma_wait3A_107 = tpu.memref_slice %arg9[%dma_wait3A_105, %dma_wait3A_106] : memref<10240x144xf32, #tpu.memory_space<vmem_shared>> -> memref<10240x144xf32, #tpu.memory_space<vmem_shared>>
        tpu.wait_indirect_dma semaphore(%run_scoped3A : memref<!tpu.dma_semaphore, #tpu.memory_space<semaphore_mem>>) src(%arg15 : memref<128x144xf32, #tpu.memory_space<vmem>>) dst(%dma_wait3A_107 : memref<10240x144xf32, #tpu.memory_space<vmem_shared>>)
        tpu.yield
      }) : () -> ()
      %dma_start3A_98 = tpu.memref_slice %arg4[%add3A_59] : memref<164096xi32, #tpu.memory_space<hbm>> -> memref<128xi32, #tpu.memory_space<hbm>>
      %dma_start3A_99 = tpu.memref_slice %arg4[%add3A_59] : memref<164096xi32, #tpu.memory_space<hbm>> -> memref<128xi32, #tpu.memory_space<hbm>>
      tpu.enqueue_dma source(%dma_start3A_99 : memref<128xi32, #tpu.memory_space<hbm>>) target(%arg13 : memref<128xi32, #tpu.memory_space<vmem>>) target_semaphore(%arg19 : memref<!tpu.dma_semaphore, #tpu.memory_space<semaphore_mem>>)
      %dma_start3A_100 = tpu.memref_slice %arg5[%add3A_59] : memref<164096xi32, #tpu.memory_space<hbm>> -> memref<128xi32, #tpu.memory_space<hbm>>
      %dma_start3A_101 = tpu.memref_slice %arg5[%add3A_59] : memref<164096xi32, #tpu.memory_space<hbm>> -> memref<128xi32, #tpu.memory_space<hbm>>
      tpu.enqueue_dma source(%dma_start3A_101 : memref<128xi32, #tpu.memory_space<hbm>>) target(%arg14 : memref<128xi32, #tpu.memory_space<vmem>>) target_semaphore(%arg19 : memref<!tpu.dma_semaphore, #tpu.memory_space<semaphore_mem>>)
    }
    %scan3A_18 = arith.constant 40 : i32
    %dma_wait3A = arith.constant 0 : i32
    %dma_wait3A_19 = arith.constant 0 : i32
    %dma_wait3A_20 = tpu.memref_slice %arg2[%dma_wait3A, %dma_wait3A_19] : memref<10240x144xf32, #tpu.memory_space<hbm>> -> memref<10240x144xf32, #tpu.memory_space<hbm>>
    tpu.wait_indirect_dma semaphore(%arg16 : memref<!tpu.dma_semaphore, #tpu.memory_space<semaphore_mem>>) src(%dma_wait3A_20 : memref<10240x144xf32, #tpu.memory_space<hbm>>) dst(%arg12 : memref<128x144xf32, #tpu.memory_space<vmem>>)
    %dma_wait3A_21 = tpu.memref_slice %arg4[%mul3A_2] : memref<164096xi32, #tpu.memory_space<hbm>> -> memref<128xi32, #tpu.memory_space<hbm>>
    %dma_wait3A_22 = tpu.memref_slice %arg4[%mul3A_2] : memref<164096xi32, #tpu.memory_space<hbm>> -> memref<128xi32, #tpu.memory_space<hbm>>
    tpu.wait_dma2 semaphore(%arg19 : memref<!tpu.dma_semaphore, #tpu.memory_space<semaphore_mem>>) src(%dma_wait3A_22 : memref<128xi32, #tpu.memory_space<hbm>>) dst(%arg13 : memref<128xi32, #tpu.memory_space<vmem>>)
    %dma_wait3A_23 = tpu.memref_slice %arg5[%mul3A_2] : memref<164096xi32, #tpu.memory_space<hbm>> -> memref<128xi32, #tpu.memory_space<hbm>>
    %dma_wait3A_24 = tpu.memref_slice %arg5[%mul3A_2] : memref<164096xi32, #tpu.memory_space<hbm>> -> memref<128xi32, #tpu.memory_space<hbm>>
    tpu.wait_dma2 semaphore(%arg19 : memref<!tpu.dma_semaphore, #tpu.memory_space<semaphore_mem>>) src(%dma_wait3A_24 : memref<128xi32, #tpu.memory_space<hbm>>) dst(%arg14 : memref<128xi32, #tpu.memory_space<vmem>>)
    %barrier3A_25 = arith.constant 0 : index
    tpu.barrier barrier_id(%barrier3A_25)
    %mul3A_26 = arith.constant 640 : i32
    %mul3A_27 = arith.muli %arg1, %mul3A_26 : i32
    %eq3A_28 = arith.constant 0 : i32
    %eq3A_29 = arith.cmpi eq, %arg0, %eq3A_28 : i32
    %convert_element_type3A_30 = arith.extui %eq3A_29 : i1 to i32
    %cond3A_31 = arith.constant 0 : i32
    %cond3A_32 = arith.cmpi ne, %convert_element_type3A_30, %cond3A_31 : i32
    scf.if %cond3A_32 {
      "tpu.region"() ({
        %run_scoped3A = tpu.sem_alloc : memref<!tpu.dma_semaphore, #tpu.memory_space<semaphore_mem>>
        %dma_start3A_38 = arith.constant 0 : i32
        %dma_start3A_39 = tpu.memref_slice %arg7[%mul3A_27, %dma_start3A_38] : memref<10240x144xf32, #tpu.memory_space<hbm>> -> memref<640x144xf32, #tpu.memory_space<hbm>>
        %dma_start3A_40 = arith.constant 0 : i32
        %dma_start3A_41 = tpu.memref_slice %arg9[%mul3A_27, %dma_start3A_40] : memref<10240x144xf32, #tpu.memory_space<vmem_shared>> -> memref<640x144xf32, #tpu.memory_space<vmem_shared>>
        tpu.enqueue_dma source(%dma_start3A_41 : memref<640x144xf32, #tpu.memory_space<vmem_shared>>) target(%dma_start3A_39 : memref<640x144xf32, #tpu.memory_space<hbm>>) target_semaphore(%run_scoped3A : memref<!tpu.dma_semaphore, #tpu.memory_space<semaphore_mem>>)
        %dma_wait3A_42 = arith.constant 0 : i32
        %dma_wait3A_43 = tpu.memref_slice %arg7[%mul3A_27, %dma_wait3A_42] : memref<10240x144xf32, #tpu.memory_space<hbm>> -> memref<640x144xf32, #tpu.memory_space<hbm>>
        %dma_wait3A_44 = arith.constant 0 : i32
        %dma_wait3A_45 = tpu.memref_slice %arg9[%mul3A_27, %dma_wait3A_44] : memref<10240x144xf32, #tpu.memory_space<vmem_shared>> -> memref<640x144xf32, #tpu.memory_space<vmem_shared>>
        tpu.wait_dma2 semaphore(%run_scoped3A : memref<!tpu.dma_semaphore, #tpu.memory_space<semaphore_mem>>) src(%dma_wait3A_45 : memref<640x144xf32, #tpu.memory_space<vmem_shared>>) dst(%dma_wait3A_43 : memref<640x144xf32, #tpu.memory_space<hbm>>)
        tpu.yield
      }) : () -> ()
    } else {
    }
    %eq3A_33 = arith.constant 1 : i32
    %eq3A_34 = arith.cmpi eq, %arg0, %eq3A_33 : i32
    %convert_element_type3A_35 = arith.extui %eq3A_34 : i1 to i32
    %cond3A_36 = arith.constant 0 : i32
    %cond3A_37 = arith.cmpi ne, %convert_element_type3A_35, %cond3A_36 : i32
    scf.if %cond3A_37 {
      "tpu.region"() ({
        %run_scoped3A = tpu.sem_alloc : memref<!tpu.dma_semaphore, #tpu.memory_space<semaphore_mem>>
        %dma_start3A_38 = arith.constant 0 : i32
        %dma_start3A_39 = tpu.memref_slice %arg8[%mul3A_27, %dma_start3A_38] : memref<10240x144xf32, #tpu.memory_space<hbm>> -> memref<640x144xf32, #tpu.memory_space<hbm>>
        %dma_start3A_40 = arith.constant 0 : i32
        %dma_start3A_41 = tpu.memref_slice %arg9[%mul3A_27, %dma_start3A_40] : memref<10240x144xf32, #tpu.memory_space<vmem_shared>> -> memref<640x144xf32, #tpu.memory_space<vmem_shared>>
        tpu.enqueue_dma source(%dma_start3A_41 : memref<640x144xf32, #tpu.memory_space<vmem_shared>>) target(%dma_start3A_39 : memref<640x144xf32, #tpu.memory_space<hbm>>) target_semaphore(%run_scoped3A : memref<!tpu.dma_semaphore, #tpu.memory_space<semaphore_mem>>)
        %dma_wait3A_42 = arith.constant 0 : i32
        %dma_wait3A_43 = tpu.memref_slice %arg8[%mul3A_27, %dma_wait3A_42] : memref<10240x144xf32, #tpu.memory_space<hbm>> -> memref<640x144xf32, #tpu.memory_space<hbm>>
        %dma_wait3A_44 = arith.constant 0 : i32
        %dma_wait3A_45 = tpu.memref_slice %arg9[%mul3A_27, %dma_wait3A_44] : memref<10240x144xf32, #tpu.memory_space<vmem_shared>> -> memref<640x144xf32, #tpu.memory_space<vmem_shared>>
        tpu.wait_dma2 semaphore(%run_scoped3A : memref<!tpu.dma_semaphore, #tpu.memory_space<semaphore_mem>>) src(%dma_wait3A_45 : memref<640x144xf32, #tpu.memory_space<vmem_shared>>) dst(%dma_wait3A_43 : memref<640x144xf32, #tpu.memory_space<hbm>>)
        tpu.yield
      }) : () -> ()
    } else {
    }
    return
  }
}

module attributes {stable_mosaic.version = 14 : i64} {
  func.func @_mm_aug_body(%arg0: i32, %arg1: memref<640x128xf32, #tpu.memory_space<vmem>>, %arg2: memref<640x128xf32, #tpu.memory_space<vmem>>, %arg3: memref<256x256xf32, #tpu.memory_space<vmem>>, %arg4: memref<1x256xf32, #tpu.memory_space<vmem>>, %arg5: memref<640x144xf32, #tpu.memory_space<vmem>>, %arg6: memref<640x144xf32, #tpu.memory_space<vmem>>) attributes {dimension_semantics = [#tpu.dimension_semantics<arbitrary>], iteration_bounds = array<i64: 16>, scalar_prefetch = 0 : i64, scratch_operands = 0 : i64, tpu.core_type = #tpu.core_type<tc>, window_params = [{transform_indices = @transform_0, window_bounds = array<i64: 640, 128>}, {transform_indices = @transform_1, window_bounds = array<i64: 640, 128>}, {pipeline_mode = #tpu.pipeline_mode<synchronous>, transform_indices = @transform_2, window_bounds = array<i64: 256, 256>}, {pipeline_mode = #tpu.pipeline_mode<synchronous>, transform_indices = @transform_3, window_bounds = array<i64: 1, 256>}, {transform_indices = @transform_4, window_bounds = array<i64: 640, 144>}, {transform_indices = @transform_5, window_bounds = array<i64: 640, 144>}]} {
    %get3A = arith.constant 0 : index
    %get3A_0 = arith.constant 0 : index
    %get3A_1 = vector.load %arg1[%get3A, %get3A_0] : memref<640x128xf32, #tpu.memory_space<vmem>>, vector<640x128xf32>
    %get3A_2 = arith.constant 0 : index
    %get3A_3 = arith.constant 0 : index
    %get3A_4 = vector.load %arg2[%get3A_2, %get3A_3] : memref<640x128xf32, #tpu.memory_space<vmem>>, vector<640x128xf32>
    %concatenate3A = tpu.concatenate %get3A_1, %get3A_4 in 1 : vector<640x128xf32>, vector<640x128xf32> -> vector<640x256xf32>
    %get3A_5 = arith.constant 0 : index
    %get3A_6 = arith.constant 0 : index
    %get3A_7 = vector.load %arg3[%get3A_5, %get3A_6] : memref<256x256xf32, #tpu.memory_space<vmem>>, vector<256x256xf32>
    %dot_general3A = arith.constant dense<0.000000e+00> : vector<640x256xf32>
    %dot_general3A_8 = tpu.matmul %concatenate3A, %get3A_7, %dot_general3A {dimension_numbers = #tpu.dot_dimension_numbers<[1], [0], [0], [1], [0, 0, 1, 1], [], []>, transpose_lhs_hint = false} : vector<640x256xf32>, vector<256x256xf32>, vector<640x256xf32> -> vector<640x256xf32>
    %get3A_9 = arith.constant 0 : index
    %get3A_10 = arith.constant 0 : index
    %get3A_11 = vector.load %arg4[%get3A_9, %get3A_10] : memref<1x256xf32, #tpu.memory_space<vmem>>, vector<1x256xf32>
    %add3A = vector.broadcast %get3A_11 : vector<1x256xf32> to vector<640x256xf32>
    %add3A_12 = arith.addf %dot_general3A_8, %add3A : vector<640x256xf32>
    %broadcast_in_dim3A = arith.constant 1.000000e+00 : f32
    %broadcast_in_dim3A_13 = vector.broadcast %broadcast_in_dim3A : f32 to vector<640x16xf32>
    %slice3A = vector.extract_strided_slice %add3A_12 {offsets = [0, 0], sizes = [640, 128], strides = [1, 1]} : vector<640x256xf32> to vector<640x128xf32>
    %concatenate3A_14 = tpu.concatenate %slice3A, %broadcast_in_dim3A_13 in 1 : vector<640x128xf32>, vector<640x16xf32> -> vector<640x144xf32>
    %swap3A = arith.constant 0 : index
    %swap3A_15 = arith.constant 0 : index
    %swap3A_16 = vector.load %arg5[%swap3A, %swap3A_15] : memref<640x144xf32, #tpu.memory_space<vmem>>, vector<640x144xf32>
    tpu.vector_store %arg5[%swap3A, %swap3A_15], %concatenate3A_14 {strides = array<i32>} : memref<640x144xf32, #tpu.memory_space<vmem>>, vector<640x144xf32>,
    %slice3A_17 = vector.extract_strided_slice %add3A_12 {offsets = [0, 128], sizes = [640, 128], strides = [1, 1]} : vector<640x256xf32> to vector<640x128xf32>
    %concatenate3A_18 = tpu.concatenate %slice3A_17, %broadcast_in_dim3A_13 in 1 : vector<640x128xf32>, vector<640x16xf32> -> vector<640x144xf32>
    %swap3A_19 = arith.constant 0 : index
    %swap3A_20 = arith.constant 0 : index
    %swap3A_21 = vector.load %arg6[%swap3A_19, %swap3A_20] : memref<640x144xf32, #tpu.memory_space<vmem>>, vector<640x144xf32>
    tpu.vector_store %arg6[%swap3A_19, %swap3A_20], %concatenate3A_18 {strides = array<i32>} : memref<640x144xf32, #tpu.memory_space<vmem>>, vector<640x144xf32>,
    return
  }
  func.func @transform_0(%arg0: i32) -> (i32, i32) {
    %c0_i32 = arith.constant 0 : i32
    %c0_i32_0 = arith.constant 0 : i32
    return %arg0, %c0_i32 : i32, i32
  }
  func.func @transform_1(%arg0: i32) -> (i32, i32) {
    %c0_i32 = arith.constant 0 : i32
    %c0_i32_0 = arith.constant 0 : i32
    return %arg0, %c0_i32 : i32, i32
  }
  func.func @transform_2(%arg0: i32) -> (i32, i32) {
    %c0_i32 = arith.constant 0 : i32
    %c0_i32_0 = arith.constant 0 : i32
    %c0_i32_1 = arith.constant 0 : i32
    return %c0_i32, %c0_i32_0 : i32, i32
  }
  func.func @transform_3(%arg0: i32) -> (i32, i32) {
    %c0_i32 = arith.constant 0 : i32
    %c0_i32_0 = arith.constant 0 : i32
    %c0_i32_1 = arith.constant 0 : i32
    return %c0_i32, %c0_i32_0 : i32, i32
  }
  func.func @transform_4(%arg0: i32) -> (i32, i32) {
    %c0_i32 = arith.constant 0 : i32
    %c0_i32_0 = arith.constant 0 : i32
    return %arg0, %c0_i32 : i32, i32
  }
  func.func @transform_5(%arg0: i32) -> (i32, i32) {
    %c0_i32 = arith.constant 0 : i32
    %c0_i32_0 = arith.constant 0 : i32
    return %arg0, %c0_i32 : i32, i32
  }
}

module attributes {stable_mosaic.version = 14 : i64} {
  func.func @_mm_layer_body(%arg0: i32, %arg1: memref<640x144xf32, #tpu.memory_space<vmem>>, %arg2: memref<640x144xf32, #tpu.memory_space<vmem>>, %arg3: memref<640x144xf32, #tpu.memory_space<vmem>>, %arg4: memref<640x144xf32, #tpu.memory_space<vmem>>, %arg5: memref<256x256xf32, #tpu.memory_space<vmem>>, %arg6: memref<1x256xf32, #tpu.memory_space<vmem>>, %arg7: memref<640x144xf32, #tpu.memory_space<vmem>>, %arg8: memref<640x144xf32, #tpu.memory_space<vmem>>) attributes {dimension_semantics = [#tpu.dimension_semantics<arbitrary>], iteration_bounds = array<i64: 16>, scalar_prefetch = 0 : i64, scratch_operands = 0 : i64, tpu.core_type = #tpu.core_type<tc>, window_params = [{transform_indices = @transform_0, window_bounds = array<i64: 640, 144>}, {transform_indices = @transform_1, window_bounds = array<i64: 640, 144>}, {transform_indices = @transform_2, window_bounds = array<i64: 640, 144>}, {transform_indices = @transform_3, window_bounds = array<i64: 640, 144>}, {pipeline_mode = #tpu.pipeline_mode<synchronous>, transform_indices = @transform_4, window_bounds = array<i64: 256, 256>}, {pipeline_mode = #tpu.pipeline_mode<synchronous>, transform_indices = @transform_5, window_bounds = array<i64: 1, 256>}, {transform_indices = @transform_6, window_bounds = array<i64: 640, 144>}, {transform_indices = @transform_7, window_bounds = array<i64: 640, 144>}]} {
    %get3A = arith.constant 0 : index
    %get3A_0 = arith.constant 128 : index
    %get3A_1 = vector.load %arg3[%get3A, %get3A_0] : memref<640x144xf32, #tpu.memory_space<vmem>>, vector<640x1xf32>
    %max3A = arith.constant 1.000000e+00 : f32
    %max3A_2 = vector.broadcast %max3A : f32 to vector<640x1xf32>
    %max3A_3 = arith.maximumf %get3A_1, %max3A_2 : vector<640x1xf32>
    %div3A = arith.constant 1.000000e+00 : f32
    %div3A_4 = vector.broadcast %div3A : f32 to vector<640x1xf32>
    %div3A_5 = arith.divf %div3A_4, %max3A_3 : vector<640x1xf32>
    %get3A_6 = arith.constant 0 : index
    %get3A_7 = arith.constant 0 : index
    %get3A_8 = vector.load %arg1[%get3A_6, %get3A_7] : memref<640x144xf32, #tpu.memory_space<vmem>>, vector<640x128xf32>
    %get3A_9 = arith.constant 0 : index
    %get3A_10 = arith.constant 0 : index
    %get3A_11 = vector.load %arg3[%get3A_9, %get3A_10] : memref<640x144xf32, #tpu.memory_space<vmem>>, vector<640x128xf32>
    %mul3A = vector.broadcast %div3A_5 : vector<640x1xf32> to vector<640x128xf32>
    %mul3A_12 = arith.mulf %get3A_11, %mul3A : vector<640x128xf32>
    %add3A = arith.addf %get3A_8, %mul3A_12 : vector<640x128xf32>
    %get3A_13 = arith.constant 0 : index
    %get3A_14 = arith.constant 0 : index
    %get3A_15 = vector.load %arg2[%get3A_13, %get3A_14] : memref<640x144xf32, #tpu.memory_space<vmem>>, vector<640x128xf32>
    %get3A_16 = arith.constant 0 : index
    %get3A_17 = arith.constant 0 : index
    %get3A_18 = vector.load %arg4[%get3A_16, %get3A_17] : memref<640x144xf32, #tpu.memory_space<vmem>>, vector<640x128xf32>
    %mul3A_19 = vector.broadcast %div3A_5 : vector<640x1xf32> to vector<640x128xf32>
    %mul3A_20 = arith.mulf %get3A_18, %mul3A_19 : vector<640x128xf32>
    %add3A_21 = arith.addf %get3A_15, %mul3A_20 : vector<640x128xf32>
    %concatenate3A = tpu.concatenate %add3A, %add3A_21 in 1 : vector<640x128xf32>, vector<640x128xf32> -> vector<640x256xf32>
    %get3A_22 = arith.constant 0 : index
    %get3A_23 = arith.constant 0 : index
    %get3A_24 = vector.load %arg5[%get3A_22, %get3A_23] : memref<256x256xf32, #tpu.memory_space<vmem>>, vector<256x256xf32>
    %dot_general3A = arith.constant dense<0.000000e+00> : vector<640x256xf32>
    %dot_general3A_25 = tpu.matmul %concatenate3A, %get3A_24, %dot_general3A {dimension_numbers = #tpu.dot_dimension_numbers<[1], [0], [0], [1], [0, 0, 1, 1], [], []>, transpose_lhs_hint = false} : vector<640x256xf32>, vector<256x256xf32>, vector<640x256xf32> -> vector<640x256xf32>
    %get3A_26 = arith.constant 0 : index
    %get3A_27 = arith.constant 0 : index
    %get3A_28 = vector.load %arg6[%get3A_26, %get3A_27] : memref<1x256xf32, #tpu.memory_space<vmem>>, vector<1x256xf32>
    %add3A_29 = vector.broadcast %get3A_28 : vector<1x256xf32> to vector<640x256xf32>
    %add3A_30 = arith.addf %dot_general3A_25, %add3A_29 : vector<640x256xf32>
    %max3A_31 = arith.constant 0.000000e+00 : f32
    %max3A_32 = vector.broadcast %max3A_31 : f32 to vector<640x256xf32>
    %max3A_33 = arith.maximumf %add3A_30, %max3A_32 : vector<640x256xf32>
    %broadcast_in_dim3A = arith.constant 1.000000e+00 : f32
    %broadcast_in_dim3A_34 = vector.broadcast %broadcast_in_dim3A : f32 to vector<640x16xf32>
    %slice3A = vector.extract_strided_slice %max3A_33 {offsets = [0, 0], sizes = [640, 128], strides = [1, 1]} : vector<640x256xf32> to vector<640x128xf32>
    %concatenate3A_35 = tpu.concatenate %slice3A, %broadcast_in_dim3A_34 in 1 : vector<640x128xf32>, vector<640x16xf32> -> vector<640x144xf32>
    %swap3A = arith.constant 0 : index
    %swap3A_36 = arith.constant 0 : index
    %swap3A_37 = vector.load %arg7[%swap3A, %swap3A_36] : memref<640x144xf32, #tpu.memory_space<vmem>>, vector<640x144xf32>
    tpu.vector_store %arg7[%swap3A, %swap3A_36], %concatenate3A_35 {strides = array<i32>} : memref<640x144xf32, #tpu.memory_space<vmem>>, vector<640x144xf32>,
    %slice3A_38 = vector.extract_strided_slice %max3A_33 {offsets = [0, 128], sizes = [640, 128], strides = [1, 1]} : vector<640x256xf32> to vector<640x128xf32>
    %concatenate3A_39 = tpu.concatenate %slice3A_38, %broadcast_in_dim3A_34 in 1 : vector<640x128xf32>, vector<640x16xf32> -> vector<640x144xf32>
    %swap3A_40 = arith.constant 0 : index
    %swap3A_41 = arith.constant 0 : index
    %swap3A_42 = vector.load %arg8[%swap3A_40, %swap3A_41] : memref<640x144xf32, #tpu.memory_space<vmem>>, vector<640x144xf32>
    tpu.vector_store %arg8[%swap3A_40, %swap3A_41], %concatenate3A_39 {strides = array<i32>} : memref<640x144xf32, #tpu.memory_space<vmem>>, vector<640x144xf32>,
    return
  }
  func.func @transform_0(%arg0: i32) -> (i32, i32) {
    %c0_i32 = arith.constant 0 : i32
    %c0_i32_0 = arith.constant 0 : i32
    return %arg0, %c0_i32 : i32, i32
  }
  func.func @transform_1(%arg0: i32) -> (i32, i32) {
    %c0_i32 = arith.constant 0 : i32
    %c0_i32_0 = arith.constant 0 : i32
    return %arg0, %c0_i32 : i32, i32
  }
  func.func @transform_2(%arg0: i32) -> (i32, i32) {
    %c0_i32 = arith.constant 0 : i32
    %c0_i32_0 = arith.constant 0 : i32
    return %arg0, %c0_i32 : i32, i32
  }
  func.func @transform_3(%arg0: i32) -> (i32, i32) {
    %c0_i32 = arith.constant 0 : i32
    %c0_i32_0 = arith.constant 0 : i32
    return %arg0, %c0_i32 : i32, i32
  }
  func.func @transform_4(%arg0: i32) -> (i32, i32) {
    %c0_i32 = arith.constant 0 : i32
    %c0_i32_0 = arith.constant 0 : i32
    %c0_i32_1 = arith.constant 0 : i32
    return %c0_i32, %c0_i32_0 : i32, i32
  }
  func.func @transform_5(%arg0: i32) -> (i32, i32) {
    %c0_i32 = arith.constant 0 : i32
    %c0_i32_0 = arith.constant 0 : i32
    %c0_i32_1 = arith.constant 0 : i32
    return %c0_i32, %c0_i32_0 : i32, i32
  }
  func.func @transform_6(%arg0: i32) -> (i32, i32) {
    %c0_i32 = arith.constant 0 : i32
    %c0_i32_0 = arith.constant 0 : i32
    return %arg0, %c0_i32 : i32, i32
  }
  func.func @transform_7(%arg0: i32) -> (i32, i32) {
    %c0_i32 = arith.constant 0 : i32
    %c0_i32_0 = arith.constant 0 : i32
    return %arg0, %c0_i32 : i32, i32
  }
}

module attributes {stable_mosaic.version = 14 : i64} {
  func.func @_mm_final_body(%arg0: i32, %arg1: memref<640x144xf32, #tpu.memory_space<vmem>>, %arg2: memref<640x144xf32, #tpu.memory_space<vmem>>, %arg3: memref<640x144xf32, #tpu.memory_space<vmem>>, %arg4: memref<640x144xf32, #tpu.memory_space<vmem>>, %arg5: memref<256x256xf32, #tpu.memory_space<vmem>>, %arg6: memref<1x256xf32, #tpu.memory_space<vmem>>, %arg7: memref<640x256xf32, #tpu.memory_space<vmem>>) attributes {dimension_semantics = [#tpu.dimension_semantics<arbitrary>], iteration_bounds = array<i64: 16>, scalar_prefetch = 0 : i64, scratch_operands = 0 : i64, tpu.core_type = #tpu.core_type<tc>, window_params = [{transform_indices = @transform_0, window_bounds = array<i64: 640, 144>}, {transform_indices = @transform_1, window_bounds = array<i64: 640, 144>}, {transform_indices = @transform_2, window_bounds = array<i64: 640, 144>}, {transform_indices = @transform_3, window_bounds = array<i64: 640, 144>}, {pipeline_mode = #tpu.pipeline_mode<synchronous>, transform_indices = @transform_4, window_bounds = array<i64: 256, 256>}, {pipeline_mode = #tpu.pipeline_mode<synchronous>, transform_indices = @transform_5, window_bounds = array<i64: 1, 256>}, {transform_indices = @transform_6, window_bounds = array<i64: 640, 256>}]} {
    %get3A = arith.constant 0 : index
    %get3A_0 = arith.constant 128 : index
    %get3A_1 = vector.load %arg3[%get3A, %get3A_0] : memref<640x144xf32, #tpu.memory_space<vmem>>, vector<640x1xf32>
    %max3A = arith.constant 1.000000e+00 : f32
    %max3A_2 = vector.broadcast %max3A : f32 to vector<640x1xf32>
    %max3A_3 = arith.maximumf %get3A_1, %max3A_2 : vector<640x1xf32>
    %div3A = arith.constant 1.000000e+00 : f32
    %div3A_4 = vector.broadcast %div3A : f32 to vector<640x1xf32>
    %div3A_5 = arith.divf %div3A_4, %max3A_3 : vector<640x1xf32>
    %get3A_6 = arith.constant 0 : index
    %get3A_7 = arith.constant 0 : index
    %get3A_8 = vector.load %arg1[%get3A_6, %get3A_7] : memref<640x144xf32, #tpu.memory_space<vmem>>, vector<640x128xf32>
    %get3A_9 = arith.constant 0 : index
    %get3A_10 = arith.constant 0 : index
    %get3A_11 = vector.load %arg3[%get3A_9, %get3A_10] : memref<640x144xf32, #tpu.memory_space<vmem>>, vector<640x128xf32>
    %mul3A = vector.broadcast %div3A_5 : vector<640x1xf32> to vector<640x128xf32>
    %mul3A_12 = arith.mulf %get3A_11, %mul3A : vector<640x128xf32>
    %add3A = arith.addf %get3A_8, %mul3A_12 : vector<640x128xf32>
    %get3A_13 = arith.constant 0 : index
    %get3A_14 = arith.constant 0 : index
    %get3A_15 = vector.load %arg2[%get3A_13, %get3A_14] : memref<640x144xf32, #tpu.memory_space<vmem>>, vector<640x128xf32>
    %get3A_16 = arith.constant 0 : index
    %get3A_17 = arith.constant 0 : index
    %get3A_18 = vector.load %arg4[%get3A_16, %get3A_17] : memref<640x144xf32, #tpu.memory_space<vmem>>, vector<640x128xf32>
    %mul3A_19 = vector.broadcast %div3A_5 : vector<640x1xf32> to vector<640x128xf32>
    %mul3A_20 = arith.mulf %get3A_18, %mul3A_19 : vector<640x128xf32>
    %add3A_21 = arith.addf %get3A_15, %mul3A_20 : vector<640x128xf32>
    %concatenate3A = tpu.concatenate %add3A, %add3A_21 in 1 : vector<640x128xf32>, vector<640x128xf32> -> vector<640x256xf32>
    %get3A_22 = arith.constant 0 : index
    %get3A_23 = arith.constant 0 : index
    %get3A_24 = vector.load %arg5[%get3A_22, %get3A_23] : memref<256x256xf32, #tpu.memory_space<vmem>>, vector<256x256xf32>
    %dot_general3A = arith.constant dense<0.000000e+00> : vector<640x256xf32>
    %dot_general3A_25 = tpu.matmul %concatenate3A, %get3A_24, %dot_general3A {dimension_numbers = #tpu.dot_dimension_numbers<[1], [0], [0], [1], [0, 0, 1, 1], [], []>, transpose_lhs_hint = false} : vector<640x256xf32>, vector<256x256xf32>, vector<640x256xf32> -> vector<640x256xf32>
    %get3A_26 = arith.constant 0 : index
    %get3A_27 = arith.constant 0 : index
    %get3A_28 = vector.load %arg6[%get3A_26, %get3A_27] : memref<1x256xf32, #tpu.memory_space<vmem>>, vector<1x256xf32>
    %add3A_29 = vector.broadcast %get3A_28 : vector<1x256xf32> to vector<640x256xf32>
    %add3A_30 = arith.addf %dot_general3A_25, %add3A_29 : vector<640x256xf32>
    %max3A_31 = arith.constant 0.000000e+00 : f32
    %max3A_32 = vector.broadcast %max3A_31 : f32 to vector<640x256xf32>
    %max3A_33 = arith.maximumf %add3A_30, %max3A_32 : vector<640x256xf32>
    %swap3A = arith.constant 0 : index
    %swap3A_34 = arith.constant 0 : index
    %swap3A_35 = vector.load %arg7[%swap3A, %swap3A_34] : memref<640x256xf32, #tpu.memory_space<vmem>>, vector<640x256xf32>
    tpu.vector_store %arg7[%swap3A, %swap3A_34], %max3A_33 {strides = array<i32>} : memref<640x256xf32, #tpu.memory_space<vmem>>, vector<640x256xf32>,
    return
  }
  func.func @transform_0(%arg0: i32) -> (i32, i32) {
    %c0_i32 = arith.constant 0 : i32
    %c0_i32_0 = arith.constant 0 : i32
    return %arg0, %c0_i32 : i32, i32
  }
  func.func @transform_1(%arg0: i32) -> (i32, i32) {
    %c0_i32 = arith.constant 0 : i32
    %c0_i32_0 = arith.constant 0 : i32
    return %arg0, %c0_i32 : i32, i32
  }
  func.func @transform_2(%arg0: i32) -> (i32, i32) {
    %c0_i32 = arith.constant 0 : i32
    %c0_i32_0 = arith.constant 0 : i32
    return %arg0, %c0_i32 : i32, i32
  }
  func.func @transform_3(%arg0: i32) -> (i32, i32) {
    %c0_i32 = arith.constant 0 : i32
    %c0_i32_0 = arith.constant 0 : i32
    return %arg0, %c0_i32 : i32, i32
  }
  func.func @transform_4(%arg0: i32) -> (i32, i32) {
    %c0_i32 = arith.constant 0 : i32
    %c0_i32_0 = arith.constant 0 : i32
    %c0_i32_1 = arith.constant 0 : i32
    return %c0_i32, %c0_i32_0 : i32, i32
  }
  func.func @transform_5(%arg0: i32) -> (i32, i32) {
    %c0_i32 = arith.constant 0 : i32
    %c0_i32_0 = arith.constant 0 : i32
    %c0_i32_1 = arith.constant 0 : i32
    return %c0_i32, %c0_i32_0 : i32, i32
  }
  func.func @transform_6(%arg0: i32) -> (i32, i32) {
    %c0_i32 = arith.constant 0 : i32
    %c0_i32_0 = arith.constant 0 : i32
    return %arg0, %c0_i32 : i32, i32
  }
}

</mosaic_0001>

<sc_bundles>
// kernel: kernel.10.cloned.1.call-start
scs
__scs_entry_jumppad:
0x0: {  	(pc) =	sbr.rel $0x88, $3  }
0x1: {  	(tag) =	ssettag $0x0;
	lr =	simm.s32 $0x1  }
0x2: {  	[smem:$0x3F98] =	sst lr;
	_ =	strace $0xD0000000  }
0x3: {  	_ = 	snop  }
0x4: {  	_ = 	snop  }
0x5: {  	_ = 	snop  }
0x6: {  	_ = 	snop  }
0x7: {  	_ = 	snop  }
__scs_overlays_trampoline_lowered:
0x8: {  	[smem:$0x3FA7] =	sst s0  }
0x9: {  	[smem:$0x3FA8] =	sst s1  }
0xa: {  	[smem:$0x3FA9] =	sst s2  }
0xb: {  	[smem:$0x3FAA] =	sst s3  }
0xc: {  	[smem:$0x3FAB] =	sst s4  }
0xd: {  	[smem:$0x3FAC] =	sst s5  }
0xe: {  	[smem:$0x3FAD] =	sst s6  }
0xf: {  	[smem:$0x3FAE] =	sst s7  }
0x10: {  	[smem:$0x3FAF] =	sst s8  }
0x11: {  	[smem:$0x3FB0] =	sst s9;
	s0 =	simm.s32 @!p0 $0x0  }
0x12: {  	s1 =	sld [smem:$0x3F96];
	s0 =	simm.s32 @p0 $0x1  }
0x13: {  	[smem:$0x3FB1] =	sst s0;
	s0 =	simm.s32 @!p1 $0x0  }
0x14: {  	s2 =	sld [smem:$0x3F95];
	s0 =	simm.s32 @p1 $0x1  }
0x15: {  	[smem:$0x3FB2] =	sst s0;
	s0 =	simm.s32 @!p2 $0x0  }
0x16: {  	s3 =	sld [smem:$0x3FDB];
	s0 =	simm.s32 @p2 $0x1  }
0x17: {  	s4 =	simm.s32 $0x1BF5;
	[smem:$0x3FB4] =	sst s0  }
0x18: {  	s0 =	sld [smem:$0x3F97];
	_ =	swait.ge [sflag:s4], $0x0  }
0x19: {  	s7 =	sld [smem:$0x3F98]  }
0x1a: {  	s8 =	sadd.s32 $0xFFFFE003, lr  }
0x1b: {  	s9 =	sadd.s32 $0xFFFFFEF7, lr;
	s5 =	simm.s32 $0xFFFFFFFF;
	p2 =	slt.u32 s8, $0xFFFFF086  }
0x1c: {  	p1 =	slt.u32 s9, $0xF7A;
	s5 =	simm.s32 @!p2 $0x0  }
0x1d: {  	s5 =	simm.s32 @p1 $0x1;
	p0 =	seq.s32 s7, s2  }
0x1e: {  	s7 =	smul.u32 @!p0 $0xF7A, s2;
	p2 =	seq.s32 @!p0 s5, $0x0  }
0x1f: {  	s9 =	smul.u32 $0xF7A, s1;
	s8 =	simm.s32 @!p0 $0x1BF5;
	p2 =	por !p2, p0  }
0x20: {  	[sflag:s8] =	ssyncset.s32 @!p0 $0xFFFFF086;
	s6 =	sadd.s32 @!p0 s3, s7;
	s7 =	simm.s32 @!p0 $0x108  }
0x21: {  	s3 =	sadd.s32 s3, s9;
	s6 =	sadd.s32 @!p0 $0x88, s6;
	s7 =	simm.s32 @p2 $0x1082  }
0x22: {  	[simem:s7], [sflag:s8] =	dma.local @!p0 [hbm:s6], $0xF7A  }
0x23: {  	s9 =	sor.u32 $0xD0000000, s2;
	s6 =	simm.s32 $0x108;
	_ =	swait.ge @!p0 [sflag:s8], $0x0  }
0x24: {  	s3 =	sadd.s32 $0x88, s3;
	s6 =	simm.s32 @!p1 $0x1082;
	[sflag:s4] =	ssyncset.s32 $0xFFFFF086  }
0x25: {  	[simem:s6], [sflag:s4] =	dma.local [hbm:s3], $0xF7A  }
0x26: {  	[smem:$0x3F98] =	sst s1;
	(tag) =	ssettag s2;
	_ =	strace s9  }
0x27: {  	s1 =	sld [smem:$0x3FA8]  }
0x28: {  	s2 =	sld [smem:$0x3FA9]  }
0x29: {  	s4 =	sld [smem:$0x3FAB]  }
0x2a: {  	p0 =	seq.s32 s5, $0x0;
	s5 =	sld [smem:$0x3FAC]  }
0x2b: {  	s6 =	sld [smem:$0x3FAD]  }
0x2c: {  	s7 =	sld [smem:$0x3FAE]  }
0x2d: {  	s3 =	simm.s32 $0x108;
	s8 =	sld [smem:$0x3FAF]  }
0x2e: {  	s3 =	simm.s32 @!p0 $0x1082;
	s9 =	sld [smem:$0x3FB0]  }
0x2f: {  	lr =	sadd.s32 s0, s3;
	s0 =	sld [smem:$0x3FA7]  }
0x30: {  	s3 =	sld [smem:$0x3FAA]  }
0x31: {  	[smem:$0x3FB3] =	sst s10  }
0x32: {  	s10 =	sld [smem:$0x3FB1];
	_ =	sdelay $0x3  }
0x33: {  	p0 =	seq.s32 s10, $0x1;
	s10 =	sld [smem:$0x3FB3];
	_ =	sdelay $0x3  }
0x34: {  	[smem:$0x3FB3] =	sst s10  }
0x35: {  	s10 =	sld [smem:$0x3FB2];
	_ =	sdelay $0x3  }
0x36: {  	p1 =	seq.s32 s10, $0x1;
	s10 =	sld [smem:$0x3FB3];
	_ =	sdelay $0x3  }
0x37: {  	[smem:$0x3FB3] =	sst s10  }
0x38: {  	s10 =	sld [smem:$0x3FB4]  }
0x39: {  	_ = 	snop;
	(pc) =	sbr.ind lr, $3  }
0x3a: {  	_ = 	snop  }
0x3b: {  	_ = 	snop  }
0x3c: {  	p2 =	seq.s32 s10, $0x1;
	s10 =	sld [smem:$0x3FB3]  }
0x3d: {  	_ =	shalt  }
0x3e: {  	_ =	shalt  }
0x3f: {  	_ =	shalt  }
0x40: {  	_ =	shalt  }
0x41: {  	_ =	shalt  }
0x42: {  	_ =	shalt  }
0x43: {  	_ =	shalt  }
0x44: {  	_ =	shalt  }
0x45: {  	_ =	shalt  }
0x46: {  	_ =	shalt  }
0x47: {  	_ =	shalt  }
0x48: {  	_ =	shalt  }
0x49: {  	_ =	shalt  }
0x4a: {  	_ =	shalt  }
0x4b: {  	_ =	shalt  }
0x4c: {  	_ =	shalt  }
0x4d: {  	_ =	shalt  }
0x4e: {  	_ =	shalt  }
0x4f: {  	_ =	shalt  }
0x50: {  	_ =	shalt  }
0x51: {  	_ =	shalt  }
0x52: {  	_ =	shalt  }
0x53: {  	_ =	shalt  }
0x54: {  	_ =	shalt  }
0x55: {  	_ =	shalt  }
0x56: {  	_ =	shalt  }
0x57: {  	_ =	shalt  }
0x58: {  	_ =	shalt  }
0x59: {  	_ =	shalt  }
0x5a: {  	_ =	shalt  }
0x5b: {  	_ =	shalt  }
0x5c: {  	_ =	shalt  }
0x5d: {  	_ =	shalt  }
0x5e: {  	_ =	shalt  }
0x5f: {  	_ =	shalt  }
0x60: {  	_ =	shalt  }
0x61: {  	_ =	shalt  }
0x62: {  	_ =	shalt  }
0x63: {  	_ =	shalt  }
0x64: {  	_ =	shalt  }
0x65: {  	_ =	shalt  }
0x66: {  	_ =	shalt  }
0x67: {  	_ =	shalt  }
0x68: {  	_ =	shalt  }
0x69: {  	_ =	shalt  }
0x6a: {  	_ =	shalt  }
0x6b: {  	_ =	shalt  }
0x6c: {  	_ =	shalt  }
0x6d: {  	_ =	shalt  }
0x6e: {  	_ =	shalt  }
0x6f: {  	_ =	shalt  }
0x70: {  	_ =	shalt  }
0x71: {  	_ =	shalt  }
0x72: {  	_ =	shalt  }
0x73: {  	_ =	shalt  }
0x74: {  	_ =	shalt  }
0x75: {  	_ =	shalt  }
0x76: {  	_ =	shalt  }
0x77: {  	_ =	shalt  }
0x78: {  	_ =	shalt  }
0x79: {  	_ =	shalt  }
0x7a: {  	_ =	shalt  }
0x7b: {  	_ =	shalt  }
0x7c: {  	_ =	shalt  }
0x7d: {  	_ =	shalt  }
0x7e: {  	_ =	shalt  }
0x7f: {  	_ =	shalt  }
0x80: {  	_ =	shalt  }
0x81: {  	_ =	shalt  }
0x82: {  	_ =	shalt  }
0x83: {  	_ =	shalt  }
0x84: {  	_ =	shalt  }
0x85: {  	_ =	shalt  }
0x86: {  	_ =	shalt  }
0x87: {  	_ =	shalt  }
.Lfunc_end0:
.L_simem_size_0:
called_computation.1_lowered:
.L_overlay_start_0:
0x88: {  	s2 =	sld [smem:$0x3FD9]  }
0x89: {  	s3 =	sld [smem:$0x3FFE];
	_ =	sdelay $0x1  }
0x8a: {  	s1 =	srdreg.scid  }
0x8b: {  	s0 =	sand.u32 $0x1, s1  }
0x8c: {  	s17 =	sshll.u32 s0, $0xA;
	s2 =	sadd.s32 s3, s2  }
0x8d: {  	s2 =	sadd.s32 s2, s17  }
0x8e: {  	[smem:$0x3FBF] =	sst s2  }
0x8f: {  	_ = 	snop  }
0x90: {  	s2 =	sld [smem:$0x3FD0];
	(tm) =	ssettm $0x1  }
0x91: {  	s18 =	sld [smem:$0x3FFB];
	_ =	sdelay $0x3  }
0x92: {  	_ =	strace s18  }
0x93: {  	s3 =	sld [smem:$0x3FFC];
	_ =	sdelay $0x3  }
0x94: {  	_ =	strace s3  }
0x95: {  	s3 =	sld [smem:$0x3FFD];
	_ =	sdelay $0x3  }
0x96: {  	_ =	strace s3  }
0x97: {  	_ =	strace $0x8FFFFFFF  }
0x98: {  	s19 =	sld [smem:$0x3FDB];
	_ =	sdelay $0x1  }
0x99: {  	s4 =	simm.s32 $_scs_section_size  }
0x9a: {  	s5 =	simm.s32 $_size__tile_overlayer_lowered;
	s6 =	simm.s32 $_tile_overlayer_lowered  }
0x9b: {  	s22 =	simm.s32 $0x1BFF;
	s21 =	sshll.u32 s6, $0x1;
	s3 =	sadd.s32 s4, s19  }
0x9c: {  	s7 =	simm.s32 $0x0;
	s20 =	sshll.u32 s5, $0x1;
	s5 =	sadd.s32 s21, s3  }
0x9d: {  	[timem:s7], [sflag:s22] =	dma.local [hbm:s5], s20  }
0x9e: {  	_ =	swait.ge [sflag:s22], s20  }
0x9f: {  	s4 =	ssub.s32 $0x0, s20;
	[sflag:s22] =	ssyncset.done $0x0  }
0xa0: {  	[sflag:s22] =	ssyncadd.s32 s4;
	_ =	sdelay $0x1  }
0xa1: {  	s23 =	simm.s32 $0x1B8B  }
0xa2: {  	_ =	swait.ge [sflag:s23], $0x1  }
0xa3: {  	[sflag:s23] =	ssyncset.done $0x0  }
0xa4: {  	s25 =	simm.s32 $0x1B8E;
	s24 =	sld [smem:$0x3FFE];
	[sflag:s23] =	ssyncadd.s32 $0xFFFFFFFF  }
0xa5: {  	s26 =	simm.s32 $execute0_lowered;
	[smem:$0x3FD2] =	sst s25  }
0xa6: {  	s5 =	sshll.u32 s26, $0x1;
	_ =	strace $0x80000049;
	[dreg:$0x1] =	wrdreg $0xFFFFFFFF  }
0xa7: {  	s28 =	simm.s32 $_size_execute0_lowered;
	s3 =	sadd.s32 s3, s5;
	[dreg:$0x0] =	wrdreg $0x0  }
0xa8: {  	s5 =	sshll.u32 s28, $0x1;
	[dreg:$0x2] =	wrdreg s3  }
0xa9: {  	[dreg:$0x3] =	wrdreg s5  }
0xaa: {  	[dreg:$0x4] =	wrdreg $0xC0  }
0xab: {  	_ =	task [dreg:s7], $0x5FFFF  }
0xac: {  	[dreg:$0x1] =	wrdreg $0xFFFFFFFF  }
0xad: {  	[dreg:$0x0] =	wrdreg $0x60  }
0xae: {  	[dreg:$0x2] =	wrdreg s2  }
0xaf: {  	[dreg:$0x3] =	wrdreg s24  }
0xb0: {  	[dreg:$0x4] =	wrdreg $0x0  }
0xb1: {  	[dreg:$0x5] =	wrdreg $0x9  }
0xb2: {  	_ =	task.clear_ibuf [dreg:s7], $0x6FFFF;
	_ =	strace $0x90000049  }
0xb3: {  	s29 =	simm.s32 $0x9;
	_ =	strace $0x8000004B  }
0xb4: {  	_ =	swait.ge [sflag:s29], $0x1  }
0xb5: {  	[sflag:s29] =	ssyncadd.s32 $0xFFFFFFFF  }
0xb6: {  	_ =	strace $0x9000004B  }
0xb7: {  	_ =	sfence  }
0xb8: {  	s30 =	sld [smem:$0x0];
	_ =	sdelay $0x2  }
0xb9: {  	s31 =	sshll.u32 s1, $0xD;
	s1 =	sshrl.u32 s1, $0x2  }
0xba: {  	s3 =	sand.u32 $0x4000, s31;
	s1 =	sadd.s32 s1, s30  }
0xbb: {  	s0 =	sor.u32 s3, s0;
	s1 =	sshll.u32 s1, $0x11  }
0xbc: {  	s0 =	sor.u32 s1, s0  }
0xbd: {  	s0 =	sadd.s32 $0x8F2B, s0  }
0xbe: {  	[sflag:s0] =	ssyncadd.remote.s32 $0x1  }
0xbf: {  	_ =	sfence.sel $0xFFFF  }
0xc0: {  	[dreg:$0x0] =	wrdreg $0xFFFFFFFF;
	(pc) =	sbr.abs _section_cstart, $3  }
0xc1: {  	[dreg:$0x1] =	wrdreg $0xFFFFFFFF  }
0xc2: {  	_ =	task.clear_ibuf [dreg:s7], $0x2FFFF;
	_ =	strace $0x9FFFFFFF  }
0xc3: {  	(tm) =	ssettm $0x7FFFFFFF  }
tec
execute0_lowered:
.L_overlay_start_1:
0x0: {  	(tag) =	ssettag $0x1  }
0x1: {  	s12 =	rddreg [dreg:$0x0]  }
0x2: {  	s6 =	rddreg [dreg:$0x1]  }
0x3: {  	s1 =	rddreg [dreg:$0x2];
	s2 =	simm.s32 $0x0  }
0x4: {  	s7 =	srdreg.scid;
	s0 =	stileid.u32;
	s21 =	simm.s32 $0x1B100  }
0x5: {  	s22 =	simm.s32 $0x1B180;
	s23 =	simm.s32 $0x4;
	s24 =	simm.s32 $0x1B200  }
0x6: {  	s25 =	simm.s32 $0x1;
	s26 =	simm.s32 $0x2;
	s28 =	simm.s32 $0x3  }
0x7: {  	s29 =	simm.s32 $0x0;
	[smem:$0x7FF] =	sst s2;
	s3 =	sadd.s32 $0x1C00, s6  }
0x8: {  	s14 =	sadd.s32 $0x13B000, s6;
	s13 =	sadd.s32 $0x135E00, s6;
	s5 =	sadd.s32 $0xD9000, s6  }
0x9: {  	s9 =	sand.u32 $0x1, s7;
	s15 =	sadd.s32 $0x5BC00, s6;
	s8 =	smul.u32 $0x2800, s0  }
0xa: {  	s16 =	sadd.s32 $0x2EC00, s6;
	s11 =	smul.u32 $0x16800, s0;
	s31 =	sshll.u32 s0, $0x6  }
0xb: {  	s19 =	smul.u32 $0x500, s0;
	_ =	strace $0x8000004A;
	s7 =	ssub.s32 $0x2, s9  }
0xc: {  	s6 =	sor.u32 $0x1C05, s31;
	p0 =	seq.s32 s9, $0x0;
	s30 =	sshrl.u32 s7, $0x1  }
0xd: {  	s10 =	sshrl.u32 s8, $0x3;
	s18 =	sadd.s32 s11, s1;
	s20 =	sshrl.u32 s11, $0x3  }
0xe: {  	s16 =	smov.u32 @p0 s15;
	s3 =	smov.u32 @p0 s12;
	s17 =	ssub.s32 s7, s30  }
0xf: {  	s7 =	sadd.s32 s14, s10;
	s8 =	sadd.s32 s13, s10;
	s10 =	sor.u32 $0x10, s10  }
0x10: {  	s12 =	sadd.s32 s16, s20;
	s15 =	sshrl.u32 s18, $0x3;
	s16 =	simm.s32 $0x5  }
0x11: {  	s18 =	simm.s32 $0x16880;
	s20 =	simm.s32 $0x16900;
	s9 =	sadd.s32 s14, s10  }
0x12: {  	s10 =	sadd.s32 s13, s10;
	s11 =	smax.u32 s17, $0x1;
	s13 =	sadd.s32 s19, s13  }
0x13: {  	s14 =	sadd.s32 s19, s14;
	s17 =	simm.s32 $0x16800;
	s19 =	simm.s32 $0x80  }
.LBB2_1:
0x14: {  	[spmem:s15], [sflag:s6] =	dma.local [hbm:s5], $0x2D00  }
0x15: {  	_ =	swait.ge [sflag:s16], $0x2D00  }
0x16: {  	[sflag:s16] =	ssyncset.done $0x0  }
0x17: {  	[sflag:s16] =	ssyncadd.s32 $0xFFFFD300  }
0x18: {  	[bflag:$0x0] =	sbarrier.arrive $0xFFFF  }
0x19: {  	[tilespmem:s17], [sflag:$0x5] =	stream.linear.gather [hbm4b:s7+s2], $0x80, $0x38;
	[tilespmem:$0x1FA00] =	vst v63  }
0x1a: {  	_ =	swait.ge [sflag:s16], $0x80  }
0x1b: {  	[sflag:s16] =	ssyncset.done $0x0  }
0x1c: {  	[sflag:s16] =	ssyncadd.s32 $0xFFFFFF80  }
0x1d: {  	[tilespmem:s18], [sflag:$0x5] =	stream.linear.gather [hbm4b:s8+s2], $0x80, $0x38;
	[tilespmem:$0x1FA00] =	vst v63  }
0x1e: {  	_ =	swait.ge [sflag:s16], $0x80  }
0x1f: {  	[sflag:s16] =	ssyncset.done $0x0  }
0x20: {  	[sflag:s16] =	ssyncadd.s32 $0xFFFFFF80  }
0x21: {  	[tilespmem:s20], [sflag:$0x1] =	stream.indirect.gather [hbm4b:s3+s19], $0x90, s17, s19, $0xb8;
	[tilespmem:$0x1FA00] =	vst v63  }
0x22: {  	_ = 	snop  }
0x23: {  	[tilespmem:s21], [sflag:$0x4] =	stream.linear.gather [hbm4b:s9+s2], $0x80, $0x38;
	[tilespmem:$0x1FA00] =	vst v63  }
0x24: {  	_ = 	snop  }
0x25: {  	[tilespmem:s22], [sflag:$0x4] =	stream.linear.gather [hbm4b:s10+s2], $0x80, $0x38;
	[tilespmem:$0x1FA00] =	vst v63  }
0x26: {  	_ =	swait.ge [sflag:s23], $0x80  }
0x27: {  	[sflag:s23] =	ssyncset.done $0x0  }
0x28: {  	[sflag:s23] =	ssyncadd.s32 $0xFFFFFF80  }
0x29: {  	_ =	swait.ge [sflag:s23], $0x80  }
0x2a: {  	[sflag:s23] =	ssyncset.done $0x0  }
0x2b: {  	[sflag:s23] =	ssyncadd.s32 $0xFFFFFF80  }
0x2c: {  	[tilespmem:s24], [sflag:$0x2] =	stream.indirect.gather [hbm4b:s3+s19], $0x90, s21, s19, $0xb8;
	[tilespmem:$0x1FA00] =	vst v63  }
0x2d: {  	_ =	swait.ge [sflag:s25], $0x4800  }
0x2e: {  	[sflag:s25] =	ssyncset.done $0x0  }
0x2f: {  	[sflag:s25] =	ssyncadd.s32 $0xFFFFB800  }
0x30: {  	[spmem:s1] =	stream.indirect.scatter.add.f32 [tilespmem:s20], [sflag:$0x5], $0x90, s18, s19, $0xb8;
	[tilespmem:$0x1FA00] =	vst v63  }
0x31: {  	_ =	swait.ge [sflag:s16], $0x4800  }
0x32: {  	s30 =	sadd.s32 $0xFFFFFB00, s14;
	[sflag:s16] =	ssyncset.done $0x0  }
0x33: {  	s0 =	sadd.s32 $0xFFFFFB00, s13;
	s31 =	sadd.s32 $0x520, s30;
	[sflag:s16] =	ssyncadd.s32 $0xFFFFB800  }
0x34: {  	[tilespmem:s17], [sflag:$0x3] =	stream.linear.gather [hbm4b:s31+s2], $0x80, $0x38;
	[tilespmem:$0x1FA00] =	vst v63  }
0x35: {  	s31 =	sadd.s32 $0x520, s0  }
0x36: {  	[tilespmem:s18], [sflag:$0x3] =	stream.linear.gather [hbm4b:s31+s2], $0x80, $0x38;
	[tilespmem:$0x1FA00] =	vst v63  }
0x37: {  	_ =	swait.ge [sflag:s26], $0x4800  }
0x38: {  	[sflag:s26] =	ssyncset.done $0x0  }
0x39: {  	[sflag:s26] =	ssyncadd.s32 $0xFFFFB800  }
0x3a: {  	_ =	swait.ge [sflag:s28], $0x80  }
0x3b: {  	[sflag:s28] =	ssyncset.done $0x0  }
0x3c: {  	[sflag:s28] =	ssyncadd.s32 $0xFFFFFF80  }
0x3d: {  	_ =	swait.ge [sflag:s28], $0x80  }
0x3e: {  	[sflag:s28] =	ssyncset.done $0x0  }
0x3f: {  	[sflag:s28] =	ssyncadd.s32 $0xFFFFFF80  }
0x40: {  	[tilespmem:s20], [sflag:$0x1] =	stream.indirect.gather [hbm4b:s3+s19], $0x90, s17, s19, $0xb8;
	[tilespmem:$0x1FA00] =	vst v63  }
0x41: {  	_ = 	snop  }
0x42: {  	[spmem:s1] =	stream.indirect.scatter.add.f32 [tilespmem:s24], [sflag:$0x5], $0x90, s22, s19, $0xb8;
	[tilespmem:$0x1FA00] =	vst v63  }
0x43: {  	_ =	swait.ge [sflag:s16], $0x4800  }
0x44: {  	[sflag:s16] =	ssyncset.done $0x0  }
0x45: {  	s30 =	sadd.s32 $0x530, s30;
	[sflag:s16] =	ssyncadd.s32 $0xFFFFB800  }
0x46: {  	[tilespmem:s21], [sflag:$0x4] =	stream.linear.gather [hbm4b:s30+s2], $0x80, $0x38;
	[tilespmem:$0x1FA00] =	vst v63  }
0x47: {  	s31 =	sadd.s32 $0x530, s0;
	s30 =	simm.s32 $0xFFFFFB20  }
.LBB2_2:
0x48: {  	[tilespmem:s22], [sflag:$0x4] =	stream.linear.gather [hbm4b:s31+s2], $0x80, $0x38;
	[tilespmem:$0x1FA00] =	vst v63  }
0x49: {  	s0 =	smov.u32 s30  }
0x4a: {  	p0 =	sne.s32 s30, $0xFFFFFFE0;
	s30 =	sadd.s32 $0x20, s30;
	_ =	swait.ge [sflag:s23], $0x80  }
0x4b: {  	[sflag:s23] =	ssyncset.done $0x0  }
0x4c: {  	[sflag:s23] =	ssyncadd.s32 $0xFFFFFF80  }
0x4d: {  	_ =	swait.ge [sflag:s23], $0x80  }
0x4e: {  	[sflag:s23] =	ssyncset.done $0x0  }
0x4f: {  	[sflag:s23] =	ssyncadd.s32 $0xFFFFFF80  }
0x50: {  	[tilespmem:s24], [sflag:$0x2] =	stream.indirect.gather [hbm4b:s3+s19], $0x90, s21, s19, $0xb8;
	[tilespmem:$0x1FA00] =	vst v63  }
0x51: {  	_ =	swait.ge [sflag:s25], $0x4800  }
0x52: {  	[sflag:s25] =	ssyncset.done $0x0  }
0x53: {  	[sflag:s25] =	ssyncadd.s32 $0xFFFFB800  }
0x54: {  	[spmem:s1] =	stream.indirect.scatter.add.f32 [tilespmem:s20], [sflag:$0x5], $0x90, s18, s19, $0xb8;
	[tilespmem:$0x1FA00] =	vst v63  }
0x55: {  	_ =	swait.ge [sflag:s16], $0x4800  }
0x56: {  	s31 =	sadd.s32 s0, s14;
	[sflag:s16] =	ssyncset.done $0x0  }
0x57: {  	s0 =	sadd.s32 s0, s13;
	s4 =	sadd.s32 $0x520, s31;
	[sflag:s16] =	ssyncadd.s32 $0xFFFFB800  }
0x58: {  	[tilespmem:s17], [sflag:$0x3] =	stream.linear.gather [hbm4b:s4+s2], $0x80, $0x38;
	[tilespmem:$0x1FA00] =	vst v63  }
0x59: {  	s4 =	sadd.s32 $0x520, s0  }
0x5a: {  	[tilespmem:s18], [sflag:$0x3] =	stream.linear.gather [hbm4b:s4+s2], $0x80, $0x38;
	[tilespmem:$0x1FA00] =	vst v63  }
0x5b: {  	_ =	swait.ge [sflag:s26], $0x4800  }
0x5c: {  	[sflag:s26] =	ssyncset.done $0x0  }
0x5d: {  	[sflag:s26] =	ssyncadd.s32 $0xFFFFB800  }
0x5e: {  	_ =	swait.ge [sflag:s28], $0x80  }
0x5f: {  	[sflag:s28] =	ssyncset.done $0x0  }
0x60: {  	[sflag:s28] =	ssyncadd.s32 $0xFFFFFF80  }
0x61: {  	_ =	swait.ge [sflag:s28], $0x80  }
0x62: {  	[sflag:s28] =	ssyncset.done $0x0  }
0x63: {  	[sflag:s28] =	ssyncadd.s32 $0xFFFFFF80  }
0x64: {  	[tilespmem:s20], [sflag:$0x1] =	stream.indirect.gather [hbm4b:s3+s19], $0x90, s17, s19, $0xb8;
	[tilespmem:$0x1FA00] =	vst v63  }
0x65: {  	_ = 	snop  }
0x66: {  	[spmem:s1] =	stream.indirect.scatter.add.f32 [tilespmem:s24], [sflag:$0x5], $0x90, s22, s19, $0xb8;
	[tilespmem:$0x1FA00] =	vst v63  }
.Ltmp0:
0x67: {  	_ =	swait.ge [sflag:s16], $0x4800;
	(pc) =	sbr.rel @p0 .LBB2_2-.Ltmp0, $4  }
0x68: {  	[sflag:s16] =	ssyncset.done $0x0  }
0x69: {  	s4 =	sadd.s32 $0x530, s31;
	[sflag:s16] =	ssyncadd.s32 $0xFFFFB800  }
0x6a: {  	[tilespmem:s21], [sflag:$0x4] =	stream.linear.gather [hbm4b:s4+s2], $0x80, $0x38;
	[tilespmem:$0x1FA00] =	vst v63  }
0x6b: {  	s31 =	sadd.s32 $0x530, s0  }
0x6c: {  	[tilespmem:s22], [sflag:$0x4] =	stream.linear.gather [hbm4b:s31+s2], $0x80, $0x38;
	[tilespmem:$0x1FA00] =	vst v63  }
0x6d: {  	_ =	swait.ge [sflag:s25], $0x4800  }
0x6e: {  	[sflag:s25] =	ssyncset.done $0x0  }
0x6f: {  	[sflag:s25] =	ssyncadd.s32 $0xFFFFB800  }
0x70: {  	_ =	swait.ge [sflag:s23], $0x80  }
0x71: {  	[sflag:s23] =	ssyncset.done $0x0  }
0x72: {  	[sflag:s23] =	ssyncadd.s32 $0xFFFFFF80  }
0x73: {  	_ =	swait.ge [sflag:s23], $0x80  }
0x74: {  	s29 =	sadd.s32 $0x1, s29;
	[sflag:s23] =	ssyncset.done $0x0  }
0x75: {  	p0 =	sne.s32 s29, s11;
	[sflag:s23] =	ssyncadd.s32 $0xFFFFFF80  }
.Ltmp1:
0x76: {  	[bflag:$0x0] =	sbarrier.arrive $0xFFFF;
	(pc) =	sbr.rel @p0 .LBB2_1-.Ltmp1, $4  }
0x77: {  	[hbm:s12], [sflag:s6] =	dma.local [spmem:s15], $0x2D00  }
0x78: {  	_ =	swait.ge [sflag:s16], $0x2D00  }
0x79: {  	[sflag:s16] =	ssyncset.done $0x0  }
0x7a: {  	[sflag:s16] =	ssyncadd.s32 $0xFFFFD300  }
0x7b: {  	_ =	sfence.sel $0x180000  }
0x7c: {  	[bflag:$0x0] =	sbarrier.arrive $0xFFFF  }
0x7d: {  	_ =	strace $0x9000004A  }
0x7e: {  	s0 =	stileid.u32;
	[bflag:$0x2] =	sbarrier.arrive $0xFFFF  }
0x7f: {  	p0 =	sne.s32 s0, $0x0;
	s0 =	rddreg [dreg:$0x3]  }
0x80: {  	s0 =	sadd.s32 @!p0 $0x100000, s0  }
0x81: {  	[sflag:s0] =	ssyncadd.tile.s32 @!p0 $0x1;
	_ =	shalt  }
.Lfunc_end2:
_tile_overlayer_lowered:
.L_overlay_start_2:
0x82: {  	(tag) =	ssettag $0x2  }
0x83: {  	s0 =	rddreg [dreg:$0x0];
	s2 =	stileid.u32  }
0x84: {  	s1 =	rddreg [dreg:$0x1];
	p0 =	sne.s32 s2, $0x0  }
0x85: {  	s3 =	rddreg [dreg:$0x2];
	[bflag:$0x3] =	sbarrier.arrive $0xFFFF;
	s2 =	simm.s32 @!p0 $0x1C05  }
0x86: {  	[timem:s3], [sflag:s2] =	dma.local @!p0 [hbm:s0], s1  }
0x87: {  	s0 =	simm.s32 @!p0 $0x5  }
0x88: {  	_ =	swait.ge @!p0 [sflag:s0], s1  }
0x89: {  	s1 =	ssub.s32 @!p0 $0x0, s1;
	[sflag:s0] =	ssyncset.done @!p0 $0x0  }
0x8a: {  	[sflag:s0] =	ssyncadd.s32 @!p0 s1  }
0x8b: {  	[bflag:$0x3] =	sbarrier.arrive $0xFFFF  }
0x8c: {  	_ =	shalt  }

// kernel: kernel.7.cloned.1.call-start
scs
__scs_entry_jumppad:
0x0: {  	(pc) =	sbr.rel $0x88, $3  }
0x1: {  	(tag) =	ssettag $0x0;
	lr =	simm.s32 $0x1  }
0x2: {  	[smem:$0x3F98] =	sst lr;
	_ =	strace $0xD0000000  }
0x3: {  	_ = 	snop  }
0x4: {  	_ = 	snop  }
0x5: {  	_ = 	snop  }
0x6: {  	_ = 	snop  }
0x7: {  	_ = 	snop  }
__scs_overlays_trampoline_lowered:
0x8: {  	[smem:$0x3FA7] =	sst s0  }
0x9: {  	[smem:$0x3FA8] =	sst s1  }
0xa: {  	[smem:$0x3FA9] =	sst s2  }
0xb: {  	[smem:$0x3FAA] =	sst s3  }
0xc: {  	[smem:$0x3FAB] =	sst s4  }
0xd: {  	[smem:$0x3FAC] =	sst s5  }
0xe: {  	[smem:$0x3FAD] =	sst s6  }
0xf: {  	[smem:$0x3FAE] =	sst s7  }
0x10: {  	[smem:$0x3FAF] =	sst s8  }
0x11: {  	[smem:$0x3FB0] =	sst s9;
	s0 =	simm.s32 @!p0 $0x0  }
0x12: {  	s1 =	sld [smem:$0x3F96];
	s0 =	simm.s32 @p0 $0x1  }
0x13: {  	[smem:$0x3FB1] =	sst s0;
	s0 =	simm.s32 @!p1 $0x0  }
0x14: {  	s2 =	sld [smem:$0x3F95];
	s0 =	simm.s32 @p1 $0x1  }
0x15: {  	[smem:$0x3FB2] =	sst s0;
	s0 =	simm.s32 @!p2 $0x0  }
0x16: {  	s3 =	sld [smem:$0x3FDB];
	s0 =	simm.s32 @p2 $0x1  }
0x17: {  	s4 =	simm.s32 $0x1BF5;
	[smem:$0x3FB4] =	sst s0  }
0x18: {  	s0 =	sld [smem:$0x3F97];
	_ =	swait.ge [sflag:s4], $0x0  }
0x19: {  	s7 =	sld [smem:$0x3F98]  }
0x1a: {  	s8 =	sadd.s32 $0xFFFFE003, lr  }
0x1b: {  	s9 =	sadd.s32 $0xFFFFFEF7, lr;
	s5 =	simm.s32 $0xFFFFFFFF;
	p2 =	slt.u32 s8, $0xFFFFF086  }
0x1c: {  	p1 =	slt.u32 s9, $0xF7A;
	s5 =	simm.s32 @!p2 $0x0  }
0x1d: {  	s5 =	simm.s32 @p1 $0x1;
	p0 =	seq.s32 s7, s2  }
0x1e: {  	s7 =	smul.u32 @!p0 $0xF7A, s2;
	p2 =	seq.s32 @!p0 s5, $0x0  }
0x1f: {  	s9 =	smul.u32 $0xF7A, s1;
	s8 =	simm.s32 @!p0 $0x1BF5;
	p2 =	por !p2, p0  }
0x20: {  	[sflag:s8] =	ssyncset.s32 @!p0 $0xFFFFF086;
	s6 =	sadd.s32 @!p0 s3, s7;
	s7 =	simm.s32 @!p0 $0x108  }
0x21: {  	s3 =	sadd.s32 s3, s9;
	s6 =	sadd.s32 @!p0 $0x88, s6;
	s7 =	simm.s32 @p2 $0x1082  }
0x22: {  	[simem:s7], [sflag:s8] =	dma.local @!p0 [hbm:s6], $0xF7A  }
0x23: {  	s9 =	sor.u32 $0xD0000000, s2;
	s6 =	simm.s32 $0x108;
	_ =	swait.ge @!p0 [sflag:s8], $0x0  }
0x24: {  	s3 =	sadd.s32 $0x88, s3;
	s6 =	simm.s32 @!p1 $0x1082;
	[sflag:s4] =	ssyncset.s32 $0xFFFFF086  }
0x25: {  	[simem:s6], [sflag:s4] =	dma.local [hbm:s3], $0xF7A  }
0x26: {  	[smem:$0x3F98] =	sst s1;
	(tag) =	ssettag s2;
	_ =	strace s9  }
0x27: {  	s1 =	sld [smem:$0x3FA8]  }
0x28: {  	s2 =	sld [smem:$0x3FA9]  }
0x29: {  	s4 =	sld [smem:$0x3FAB]  }
0x2a: {  	p0 =	seq.s32 s5, $0x0;
	s5 =	sld [smem:$0x3FAC]  }
0x2b: {  	s6 =	sld [smem:$0x3FAD]  }
0x2c: {  	s7 =	sld [smem:$0x3FAE]  }
0x2d: {  	s3 =	simm.s32 $0x108;
	s8 =	sld [smem:$0x3FAF]  }
0x2e: {  	s3 =	simm.s32 @!p0 $0x1082;
	s9 =	sld [smem:$0x3FB0]  }
0x2f: {  	lr =	sadd.s32 s0, s3;
	s0 =	sld [smem:$0x3FA7]  }
0x30: {  	s3 =	sld [smem:$0x3FAA]  }
0x31: {  	[smem:$0x3FB3] =	sst s10  }
0x32: {  	s10 =	sld [smem:$0x3FB1];
	_ =	sdelay $0x3  }
0x33: {  	p0 =	seq.s32 s10, $0x1;
	s10 =	sld [smem:$0x3FB3];
	_ =	sdelay $0x3  }
0x34: {  	[smem:$0x3FB3] =	sst s10  }
0x35: {  	s10 =	sld [smem:$0x3FB2];
	_ =	sdelay $0x3  }
0x36: {  	p1 =	seq.s32 s10, $0x1;
	s10 =	sld [smem:$0x3FB3];
	_ =	sdelay $0x3  }
0x37: {  	[smem:$0x3FB3] =	sst s10  }
0x38: {  	s10 =	sld [smem:$0x3FB4]  }
0x39: {  	_ = 	snop;
	(pc) =	sbr.ind lr, $3  }
0x3a: {  	_ = 	snop  }
0x3b: {  	_ = 	snop  }
0x3c: {  	p2 =	seq.s32 s10, $0x1;
	s10 =	sld [smem:$0x3FB3]  }
0x3d: {  	_ =	shalt  }
0x3e: {  	_ =	shalt  }
0x3f: {  	_ =	shalt  }
0x40: {  	_ =	shalt  }
0x41: {  	_ =	shalt  }
0x42: {  	_ =	shalt  }
0x43: {  	_ =	shalt  }
0x44: {  	_ =	shalt  }
0x45: {  	_ =	shalt  }
0x46: {  	_ =	shalt  }
0x47: {  	_ =	shalt  }
0x48: {  	_ =	shalt  }
0x49: {  	_ =	shalt  }
0x4a: {  	_ =	shalt  }
0x4b: {  	_ =	shalt  }
0x4c: {  	_ =	shalt  }
0x4d: {  	_ =	shalt  }
0x4e: {  	_ =	shalt  }
0x4f: {  	_ =	shalt  }
0x50: {  	_ =	shalt  }
0x51: {  	_ =	shalt  }
0x52: {  	_ =	shalt  }
0x53: {  	_ =	shalt  }
0x54: {  	_ =	shalt  }
0x55: {  	_ =	shalt  }
0x56: {  	_ =	shalt  }
0x57: {  	_ =	shalt  }
0x58: {  	_ =	shalt  }
0x59: {  	_ =	shalt  }
0x5a: {  	_ =	shalt  }
0x5b: {  	_ =	shalt  }
0x5c: {  	_ =	shalt  }
0x5d: {  	_ =	shalt  }
0x5e: {  	_ =	shalt  }
0x5f: {  	_ =	shalt  }
0x60: {  	_ =	shalt  }
0x61: {  	_ =	shalt  }
0x62: {  	_ =	shalt  }
0x63: {  	_ =	shalt  }
0x64: {  	_ =	shalt  }
0x65: {  	_ =	shalt  }
0x66: {  	_ =	shalt  }
0x67: {  	_ =	shalt  }
0x68: {  	_ =	shalt  }
0x69: {  	_ =	shalt  }
0x6a: {  	_ =	shalt  }
0x6b: {  	_ =	shalt  }
0x6c: {  	_ =	shalt  }
0x6d: {  	_ =	shalt  }
0x6e: {  	_ =	shalt  }
0x6f: {  	_ =	shalt  }
0x70: {  	_ =	shalt  }
0x71: {  	_ =	shalt  }
0x72: {  	_ =	shalt  }
0x73: {  	_ =	shalt  }
0x74: {  	_ =	shalt  }
0x75: {  	_ =	shalt  }
0x76: {  	_ =	shalt  }
0x77: {  	_ =	shalt  }
0x78: {  	_ =	shalt  }
0x79: {  	_ =	shalt  }
0x7a: {  	_ =	shalt  }
0x7b: {  	_ =	shalt  }
0x7c: {  	_ =	shalt  }
0x7d: {  	_ =	shalt  }
0x7e: {  	_ =	shalt  }
0x7f: {  	_ =	shalt  }
0x80: {  	_ =	shalt  }
0x81: {  	_ =	shalt  }
0x82: {  	_ =	shalt  }
0x83: {  	_ =	shalt  }
0x84: {  	_ =	shalt  }
0x85: {  	_ =	shalt  }
0x86: {  	_ =	shalt  }
0x87: {  	_ =	shalt  }
.Lfunc_end0:
.L_simem_size_0:
called_computation_lowered:
.L_overlay_start_0:
0x88: {  	s2 =	sld [smem:$0x3FD9]  }
0x89: {  	s3 =	sld [smem:$0x3FFE];
	_ =	sdelay $0x1  }
0x8a: {  	s1 =	srdreg.scid  }
0x8b: {  	s0 =	sand.u32 $0x1, s1  }
0x8c: {  	s17 =	sshll.u32 s0, $0xA;
	s2 =	sadd.s32 s3, s2  }
0x8d: {  	s2 =	sadd.s32 s2, s17  }
0x8e: {  	[smem:$0x3FBF] =	sst s2  }
0x8f: {  	_ = 	snop  }
0x90: {  	s2 =	sld [smem:$0x3FD0];
	(tm) =	ssettm $0x1  }
0x91: {  	s18 =	sld [smem:$0x3FFB];
	_ =	sdelay $0x3  }
0x92: {  	_ =	strace s18  }
0x93: {  	s3 =	sld [smem:$0x3FFC];
	_ =	sdelay $0x3  }
0x94: {  	_ =	strace s3  }
0x95: {  	s3 =	sld [smem:$0x3FFD];
	_ =	sdelay $0x3  }
0x96: {  	_ =	strace s3  }
0x97: {  	_ =	strace $0x8FFFFFFF  }
0x98: {  	s19 =	sld [smem:$0x3FDB];
	_ =	sdelay $0x1  }
0x99: {  	s4 =	simm.s32 $_scs_section_size  }
0x9a: {  	s5 =	simm.s32 $_size__tile_overlayer_lowered;
	s6 =	simm.s32 $_tile_overlayer_lowered  }
0x9b: {  	s22 =	simm.s32 $0x1BFF;
	s21 =	sshll.u32 s6, $0x1;
	s3 =	sadd.s32 s4, s19  }
0x9c: {  	s7 =	simm.s32 $0x0;
	s20 =	sshll.u32 s5, $0x1;
	s5 =	sadd.s32 s21, s3  }
0x9d: {  	[timem:s7], [sflag:s22] =	dma.local [hbm:s5], s20  }
0x9e: {  	_ =	swait.ge [sflag:s22], s20  }
0x9f: {  	s4 =	ssub.s32 $0x0, s20;
	[sflag:s22] =	ssyncset.done $0x0  }
0xa0: {  	[sflag:s22] =	ssyncadd.s32 s4;
	_ =	sdelay $0x1  }
0xa1: {  	s23 =	simm.s32 $0x1B8B  }
0xa2: {  	_ =	swait.ge [sflag:s23], $0x1  }
0xa3: {  	[sflag:s23] =	ssyncset.done $0x0  }
0xa4: {  	s25 =	simm.s32 $0x1B8E;
	s24 =	sld [smem:$0x3FFE];
	[sflag:s23] =	ssyncadd.s32 $0xFFFFFFFF  }
0xa5: {  	s26 =	simm.s32 $execute0_lowered;
	[smem:$0x3FD2] =	sst s25  }
0xa6: {  	s5 =	sshll.u32 s26, $0x1;
	_ =	strace $0x80000046;
	[dreg:$0x1] =	wrdreg $0xFFFFFFFF  }
0xa7: {  	s28 =	simm.s32 $_size_execute0_lowered;
	s3 =	sadd.s32 s3, s5;
	[dreg:$0x0] =	wrdreg $0x0  }
0xa8: {  	s5 =	sshll.u32 s28, $0x1;
	[dreg:$0x2] =	wrdreg s3  }
0xa9: {  	[dreg:$0x3] =	wrdreg s5  }
0xaa: {  	[dreg:$0x4] =	wrdreg $0xC0  }
0xab: {  	_ =	task [dreg:s7], $0x5FFFF  }
0xac: {  	[dreg:$0x1] =	wrdreg $0xFFFFFFFF  }
0xad: {  	[dreg:$0x0] =	wrdreg $0x60  }
0xae: {  	[dreg:$0x2] =	wrdreg s2  }
0xaf: {  	[dreg:$0x3] =	wrdreg s24  }
0xb0: {  	[dreg:$0x4] =	wrdreg $0x0  }
0xb1: {  	[dreg:$0x5] =	wrdreg $0x9  }
0xb2: {  	_ =	task.clear_ibuf [dreg:s7], $0x6FFFF;
	_ =	strace $0x90000046  }
0xb3: {  	s29 =	simm.s32 $0x9;
	_ =	strace $0x80000048  }
0xb4: {  	_ =	swait.ge [sflag:s29], $0x1  }
0xb5: {  	[sflag:s29] =	ssyncadd.s32 $0xFFFFFFFF  }
0xb6: {  	_ =	strace $0x90000048  }
0xb7: {  	_ =	sfence  }
0xb8: {  	s30 =	sld [smem:$0x0];
	_ =	sdelay $0x2  }
0xb9: {  	s31 =	sshll.u32 s1, $0xD;
	s1 =	sshrl.u32 s1, $0x2  }
0xba: {  	s3 =	sand.u32 $0x4000, s31;
	s1 =	sadd.s32 s1, s30  }
0xbb: {  	s0 =	sor.u32 s3, s0;
	s1 =	sshll.u32 s1, $0x11  }
0xbc: {  	s0 =	sor.u32 s1, s0  }
0xbd: {  	s0 =	sadd.s32 $0x8F2B, s0  }
0xbe: {  	[sflag:s0] =	ssyncadd.remote.s32 $0x1  }
0xbf: {  	_ =	sfence.sel $0xFFFF  }
0xc0: {  	[dreg:$0x0] =	wrdreg $0xFFFFFFFF;
	(pc) =	sbr.abs _section_cstart, $3  }
0xc1: {  	[dreg:$0x1] =	wrdreg $0xFFFFFFFF  }
0xc2: {  	_ =	task.clear_ibuf [dreg:s7], $0x2FFFF;
	_ =	strace $0x9FFFFFFF  }
0xc3: {  	(tm) =	ssettm $0x7FFFFFFF  }
tec
execute0_lowered:
.L_overlay_start_1:
0x0: {  	(tag) =	ssettag $0x1  }
0x1: {  	s12 =	rddreg [dreg:$0x0]  }
0x2: {  	s6 =	rddreg [dreg:$0x1]  }
0x3: {  	s1 =	rddreg [dreg:$0x2];
	s2 =	simm.s32 $0x0  }
0x4: {  	s7 =	srdreg.scid;
	s0 =	stileid.u32;
	s21 =	simm.s32 $0x1B100  }
0x5: {  	s22 =	simm.s32 $0x1B180;
	s23 =	simm.s32 $0x4;
	s24 =	simm.s32 $0x1B200  }
0x6: {  	s25 =	simm.s32 $0x1;
	s26 =	simm.s32 $0x2;
	s28 =	simm.s32 $0x3  }
0x7: {  	s29 =	simm.s32 $0x0;
	[smem:$0x7FF] =	sst s2;
	s3 =	sadd.s32 $0xA1C00, s6  }
0x8: {  	s14 =	sadd.s32 $0xD3E00, s6;
	s13 =	sadd.s32 $0xCEC00, s6;
	s5 =	sadd.s32 $0xD9000, s6  }
0x9: {  	s9 =	sand.u32 $0x1, s7;
	s15 =	sadd.s32 $0x108E00, s6;
	s8 =	smul.u32 $0x2800, s0  }
0xa: {  	s16 =	sadd.s32 $0xDBE00, s6;
	s11 =	smul.u32 $0x16800, s0;
	s31 =	sshll.u32 s0, $0x6  }
0xb: {  	s19 =	smul.u32 $0x500, s0;
	_ =	strace $0x80000047;
	s7 =	ssub.s32 $0x2, s9  }
0xc: {  	s6 =	sor.u32 $0x1C05, s31;
	p0 =	seq.s32 s9, $0x0;
	s30 =	sshrl.u32 s7, $0x1  }
0xd: {  	s10 =	sshrl.u32 s8, $0x3;
	s18 =	sadd.s32 s11, s1;
	s20 =	sshrl.u32 s11, $0x3  }
0xe: {  	s16 =	smov.u32 @p0 s15;
	s3 =	smov.u32 @p0 s12;
	s17 =	ssub.s32 s7, s30  }
0xf: {  	s7 =	sadd.s32 s14, s10;
	s8 =	sadd.s32 s13, s10;
	s10 =	sor.u32 $0x10, s10  }
0x10: {  	s12 =	sadd.s32 s16, s20;
	s15 =	sshrl.u32 s18, $0x3;
	s16 =	simm.s32 $0x5  }
0x11: {  	s18 =	simm.s32 $0x16880;
	s20 =	simm.s32 $0x16900;
	s9 =	sadd.s32 s14, s10  }
0x12: {  	s10 =	sadd.s32 s13, s10;
	s11 =	smax.u32 s17, $0x1;
	s13 =	sadd.s32 s19, s13  }
0x13: {  	s14 =	sadd.s32 s19, s14;
	s17 =	simm.s32 $0x16800;
	s19 =	simm.s32 $0x80  }
.LBB2_1:
0x14: {  	[spmem:s15], [sflag:s6] =	dma.local [hbm:s5], $0x2D00  }
0x15: {  	_ =	swait.ge [sflag:s16], $0x2D00  }
0x16: {  	[sflag:s16] =	ssyncset.done $0x0  }
0x17: {  	[sflag:s16] =	ssyncadd.s32 $0xFFFFD300  }
0x18: {  	[bflag:$0x0] =	sbarrier.arrive $0xFFFF  }
0x19: {  	[tilespmem:s17], [sflag:$0x5] =	stream.linear.gather [hbm4b:s7+s2], $0x80, $0x38;
	[tilespmem:$0x1FA00] =	vst v63  }
0x1a: {  	_ =	swait.ge [sflag:s16], $0x80  }
0x1b: {  	[sflag:s16] =	ssyncset.done $0x0  }
0x1c: {  	[sflag:s16] =	ssyncadd.s32 $0xFFFFFF80  }
0x1d: {  	[tilespmem:s18], [sflag:$0x5] =	stream.linear.gather [hbm4b:s8+s2], $0x80, $0x38;
	[tilespmem:$0x1FA00] =	vst v63  }
0x1e: {  	_ =	swait.ge [sflag:s16], $0x80  }
0x1f: {  	[sflag:s16] =	ssyncset.done $0x0  }
0x20: {  	[sflag:s16] =	ssyncadd.s32 $0xFFFFFF80  }
0x21: {  	[tilespmem:s20], [sflag:$0x1] =	stream.indirect.gather [hbm4b:s3+s19], $0x90, s17, s19, $0xb8;
	[tilespmem:$0x1FA00] =	vst v63  }
0x22: {  	_ = 	snop  }
0x23: {  	[tilespmem:s21], [sflag:$0x4] =	stream.linear.gather [hbm4b:s9+s2], $0x80, $0x38;
	[tilespmem:$0x1FA00] =	vst v63  }
0x24: {  	_ = 	snop  }
0x25: {  	[tilespmem:s22], [sflag:$0x4] =	stream.linear.gather [hbm4b:s10+s2], $0x80, $0x38;
	[tilespmem:$0x1FA00] =	vst v63  }
0x26: {  	_ =	swait.ge [sflag:s23], $0x80  }
0x27: {  	[sflag:s23] =	ssyncset.done $0x0  }
0x28: {  	[sflag:s23] =	ssyncadd.s32 $0xFFFFFF80  }
0x29: {  	_ =	swait.ge [sflag:s23], $0x80  }
0x2a: {  	[sflag:s23] =	ssyncset.done $0x0  }
0x2b: {  	[sflag:s23] =	ssyncadd.s32 $0xFFFFFF80  }
0x2c: {  	[tilespmem:s24], [sflag:$0x2] =	stream.indirect.gather [hbm4b:s3+s19], $0x90, s21, s19, $0xb8;
	[tilespmem:$0x1FA00] =	vst v63  }
0x2d: {  	_ =	swait.ge [sflag:s25], $0x4800  }
0x2e: {  	[sflag:s25] =	ssyncset.done $0x0  }
0x2f: {  	[sflag:s25] =	ssyncadd.s32 $0xFFFFB800  }
0x30: {  	[spmem:s1] =	stream.indirect.scatter.add.f32 [tilespmem:s20], [sflag:$0x5], $0x90, s18, s19, $0xb8;
	[tilespmem:$0x1FA00] =	vst v63  }
0x31: {  	_ =	swait.ge [sflag:s16], $0x4800  }
0x32: {  	s30 =	sadd.s32 $0xFFFFFB00, s14;
	[sflag:s16] =	ssyncset.done $0x0  }
0x33: {  	s0 =	sadd.s32 $0xFFFFFB00, s13;
	s31 =	sadd.s32 $0x520, s30;
	[sflag:s16] =	ssyncadd.s32 $0xFFFFB800  }
0x34: {  	[tilespmem:s17], [sflag:$0x3] =	stream.linear.gather [hbm4b:s31+s2], $0x80, $0x38;
	[tilespmem:$0x1FA00] =	vst v63  }
0x35: {  	s31 =	sadd.s32 $0x520, s0  }
0x36: {  	[tilespmem:s18], [sflag:$0x3] =	stream.linear.gather [hbm4b:s31+s2], $0x80, $0x38;
	[tilespmem:$0x1FA00] =	vst v63  }
0x37: {  	_ =	swait.ge [sflag:s26], $0x4800  }
0x38: {  	[sflag:s26] =	ssyncset.done $0x0  }
0x39: {  	[sflag:s26] =	ssyncadd.s32 $0xFFFFB800  }
0x3a: {  	_ =	swait.ge [sflag:s28], $0x80  }
0x3b: {  	[sflag:s28] =	ssyncset.done $0x0  }
0x3c: {  	[sflag:s28] =	ssyncadd.s32 $0xFFFFFF80  }
0x3d: {  	_ =	swait.ge [sflag:s28], $0x80  }
0x3e: {  	[sflag:s28] =	ssyncset.done $0x0  }
0x3f: {  	[sflag:s28] =	ssyncadd.s32 $0xFFFFFF80  }
0x40: {  	[tilespmem:s20], [sflag:$0x1] =	stream.indirect.gather [hbm4b:s3+s19], $0x90, s17, s19, $0xb8;
	[tilespmem:$0x1FA00] =	vst v63  }
0x41: {  	_ = 	snop  }
0x42: {  	[spmem:s1] =	stream.indirect.scatter.add.f32 [tilespmem:s24], [sflag:$0x5], $0x90, s22, s19, $0xb8;
	[tilespmem:$0x1FA00] =	vst v63  }
0x43: {  	_ =	swait.ge [sflag:s16], $0x4800  }
0x44: {  	[sflag:s16] =	ssyncset.done $0x0  }
0x45: {  	s30 =	sadd.s32 $0x530, s30;
	[sflag:s16] =	ssyncadd.s32 $0xFFFFB800  }
0x46: {  	[tilespmem:s21], [sflag:$0x4] =	stream.linear.gather [hbm4b:s30+s2], $0x80, $0x38;
	[tilespmem:$0x1FA00] =	vst v63  }
0x47: {  	s31 =	sadd.s32 $0x530, s0;
	s30 =	simm.s32 $0xFFFFFB20  }
.LBB2_2:
0x48: {  	[tilespmem:s22], [sflag:$0x4] =	stream.linear.gather [hbm4b:s31+s2], $0x80, $0x38;
	[tilespmem:$0x1FA00] =	vst v63  }
0x49: {  	s0 =	smov.u32 s30  }
0x4a: {  	p0 =	sne.s32 s30, $0xFFFFFFE0;
	s30 =	sadd.s32 $0x20, s30;
	_ =	swait.ge [sflag:s23], $0x80  }
0x4b: {  	[sflag:s23] =	ssyncset.done $0x0  }
0x4c: {  	[sflag:s23] =	ssyncadd.s32 $0xFFFFFF80  }
0x4d: {  	_ =	swait.ge [sflag:s23], $0x80  }
0x4e: {  	[sflag:s23] =	ssyncset.done $0x0  }
0x4f: {  	[sflag:s23] =	ssyncadd.s32 $0xFFFFFF80  }
0x50: {  	[tilespmem:s24], [sflag:$0x2] =	stream.indirect.gather [hbm4b:s3+s19], $0x90, s21, s19, $0xb8;
	[tilespmem:$0x1FA00] =	vst v63  }
0x51: {  	_ =	swait.ge [sflag:s25], $0x4800  }
0x52: {  	[sflag:s25] =	ssyncset.done $0x0  }
0x53: {  	[sflag:s25] =	ssyncadd.s32 $0xFFFFB800  }
0x54: {  	[spmem:s1] =	stream.indirect.scatter.add.f32 [tilespmem:s20], [sflag:$0x5], $0x90, s18, s19, $0xb8;
	[tilespmem:$0x1FA00] =	vst v63  }
0x55: {  	_ =	swait.ge [sflag:s16], $0x4800  }
0x56: {  	s31 =	sadd.s32 s0, s14;
	[sflag:s16] =	ssyncset.done $0x0  }
0x57: {  	s0 =	sadd.s32 s0, s13;
	s4 =	sadd.s32 $0x520, s31;
	[sflag:s16] =	ssyncadd.s32 $0xFFFFB800  }
0x58: {  	[tilespmem:s17], [sflag:$0x3] =	stream.linear.gather [hbm4b:s4+s2], $0x80, $0x38;
	[tilespmem:$0x1FA00] =	vst v63  }
0x59: {  	s4 =	sadd.s32 $0x520, s0  }
0x5a: {  	[tilespmem:s18], [sflag:$0x3] =	stream.linear.gather [hbm4b:s4+s2], $0x80, $0x38;
	[tilespmem:$0x1FA00] =	vst v63  }
0x5b: {  	_ =	swait.ge [sflag:s26], $0x4800  }
0x5c: {  	[sflag:s26] =	ssyncset.done $0x0  }
0x5d: {  	[sflag:s26] =	ssyncadd.s32 $0xFFFFB800  }
0x5e: {  	_ =	swait.ge [sflag:s28], $0x80  }
0x5f: {  	[sflag:s28] =	ssyncset.done $0x0  }
0x60: {  	[sflag:s28] =	ssyncadd.s32 $0xFFFFFF80  }
0x61: {  	_ =	swait.ge [sflag:s28], $0x80  }
0x62: {  	[sflag:s28] =	ssyncset.done $0x0  }
0x63: {  	[sflag:s28] =	ssyncadd.s32 $0xFFFFFF80  }
0x64: {  	[tilespmem:s20], [sflag:$0x1] =	stream.indirect.gather [hbm4b:s3+s19], $0x90, s17, s19, $0xb8;
	[tilespmem:$0x1FA00] =	vst v63  }
0x65: {  	_ = 	snop  }
0x66: {  	[spmem:s1] =	stream.indirect.scatter.add.f32 [tilespmem:s24], [sflag:$0x5], $0x90, s22, s19, $0xb8;
	[tilespmem:$0x1FA00] =	vst v63  }
.Ltmp0:
0x67: {  	_ =	swait.ge [sflag:s16], $0x4800;
	(pc) =	sbr.rel @p0 .LBB2_2-.Ltmp0, $4  }
0x68: {  	[sflag:s16] =	ssyncset.done $0x0  }
0x69: {  	s4 =	sadd.s32 $0x530, s31;
	[sflag:s16] =	ssyncadd.s32 $0xFFFFB800  }
0x6a: {  	[tilespmem:s21], [sflag:$0x4] =	stream.linear.gather [hbm4b:s4+s2], $0x80, $0x38;
	[tilespmem:$0x1FA00] =	vst v63  }
0x6b: {  	s31 =	sadd.s32 $0x530, s0  }
0x6c: {  	[tilespmem:s22], [sflag:$0x4] =	stream.linear.gather [hbm4b:s31+s2], $0x80, $0x38;
	[tilespmem:$0x1FA00] =	vst v63  }
0x6d: {  	_ =	swait.ge [sflag:s25], $0x4800  }
0x6e: {  	[sflag:s25] =	ssyncset.done $0x0  }
0x6f: {  	[sflag:s25] =	ssyncadd.s32 $0xFFFFB800  }
0x70: {  	_ =	swait.ge [sflag:s23], $0x80  }
0x71: {  	[sflag:s23] =	ssyncset.done $0x0  }
0x72: {  	[sflag:s23] =	ssyncadd.s32 $0xFFFFFF80  }
0x73: {  	_ =	swait.ge [sflag:s23], $0x80  }
0x74: {  	s29 =	sadd.s32 $0x1, s29;
	[sflag:s23] =	ssyncset.done $0x0  }
0x75: {  	p0 =	sne.s32 s29, s11;
	[sflag:s23] =	ssyncadd.s32 $0xFFFFFF80  }
.Ltmp1:
0x76: {  	[bflag:$0x0] =	sbarrier.arrive $0xFFFF;
	(pc) =	sbr.rel @p0 .LBB2_1-.Ltmp1, $4  }
0x77: {  	[hbm:s12], [sflag:s6] =	dma.local [spmem:s15], $0x2D00  }
0x78: {  	_ =	swait.ge [sflag:s16], $0x2D00  }
0x79: {  	[sflag:s16] =	ssyncset.done $0x0  }
0x7a: {  	[sflag:s16] =	ssyncadd.s32 $0xFFFFD300  }
0x7b: {  	_ =	sfence.sel $0x180000  }
0x7c: {  	[bflag:$0x0] =	sbarrier.arrive $0xFFFF  }
0x7d: {  	_ =	strace $0x90000047  }
0x7e: {  	s0 =	stileid.u32;
	[bflag:$0x2] =	sbarrier.arrive $0xFFFF  }
0x7f: {  	p0 =	sne.s32 s0, $0x0;
	s0 =	rddreg [dreg:$0x3]  }
0x80: {  	s0 =	sadd.s32 @!p0 $0x100000, s0  }
0x81: {  	[sflag:s0] =	ssyncadd.tile.s32 @!p0 $0x1;
	_ =	shalt  }
.Lfunc_end2:
_tile_overlayer_lowered:
.L_overlay_start_2:
0x82: {  	(tag) =	ssettag $0x2  }
0x83: {  	s0 =	rddreg [dreg:$0x0];
	s2 =	stileid.u32  }
0x84: {  	s1 =	rddreg [dreg:$0x1];
	p0 =	sne.s32 s2, $0x0  }
0x85: {  	s3 =	rddreg [dreg:$0x2];
	[bflag:$0x3] =	sbarrier.arrive $0xFFFF;
	s2 =	simm.s32 @!p0 $0x1C05  }
0x86: {  	[timem:s3], [sflag:s2] =	dma.local @!p0 [hbm:s0], s1  }
0x87: {  	s0 =	simm.s32 @!p0 $0x5  }
0x88: {  	_ =	swait.ge @!p0 [sflag:s0], s1  }
0x89: {  	s1 =	ssub.s32 @!p0 $0x0, s1;
	[sflag:s0] =	ssyncset.done @!p0 $0x0  }
0x8a: {  	[sflag:s0] =	ssyncadd.s32 @!p0 s1  }
0x8b: {  	[bflag:$0x3] =	sbarrier.arrive $0xFFFF  }
0x8c: {  	_ =	shalt  }

</sc_bundles>
